<compile_context>
chip_gen: v7x
topology: tpu7x:2x2x1
jax: 0.10.2.dev20260603
libtpu: 0.0.44.dev20260713+nightly
codegen_flags: <defaults>
</compile_context>

<pallas_src>
import numpy as np
import jax
import jax.numpy as jnp
from jax import lax
from jax.experimental import pallas as pl
from jax.experimental.pallas import tpu as pltpu
from jax.experimental.pallas import tpu_sc as plsc

_RADIUS = np.float32(0.1)
_GRID = 128
_OFFSET = 64
_B, _N, _D = 16, 100000, 3
_NBINS = _GRID ** 3
_HALF = _NBINS // 2
_CHUNK = 6272
_NG = _CHUNK // 16
_NI = _CHUNK // 128
_VALID15 = _N - 15 * _CHUNK
_HIST = _HALF + 128
_ZS = _HIST // 16
_NPTS_PAD = (_B - 1) * _N + 16 * _CHUNK
_BPC = _B // 2


def _neighbor_bin_map():
    m = [[x // 9 - 1, (x // 3) % 3 - 1, x % 3 - 1] for x in range(27)]
    return jnp.asarray(np.array(m), dtype=jnp.int32)


def _body(pts_hbm, keys_hbm, ids_hbm, cnt_hbm,
          pts_v, ids_v, lids_v, c0_v, c1_v, ones_v, zeros_v, hist_sh):
    cid = lax.axis_index("c")
    sid = lax.axis_index("s")
    iota = lax.iota(jnp.int32, 16)

    def init_z(i, c):
        zeros_v[pl.ds(i * 16, 16)] = jnp.zeros((16,), jnp.int32)
        return c
    lax.fori_loop(0, zeros_v.shape[0] // 16, init_z, 0)

    for u in range(8):
        ones_v[pl.ds(u * 16, 16)] = jnp.ones((16,), jnp.int32)

    def per_batch(bi, carry):
        b = cid * _BPC + bi
        pbase = pl.multiple_of(b * _N + sid * _CHUNK, 8)

        pltpu.sync_copy(pts_hbm.at[pl.ds(pbase * 3, _CHUNK * 3)], pts_v)

        tk = [jnp.clip(iota * 3 + d - 16 * j, 0, 15)
              for d in range(3) for j in range(3)]
        sel = [(iota < 6, iota < 11), (iota < 5, iota < 11), (iota < 5, iota < 10)]

        def quant(g, c):
            off = g * 48
            ks = []
            for j in range(3):
                q = pts_v[pl.ds(off + j * 16, 16)] / _RADIUS
                t = q.astype(jnp.int32)
                tf = t.astype(jnp.float32)
                adj = tf > q
                k = jnp.where(adj, t - 1, t)
                pts_v[pl.ds(off + j * 16, 16)] = jnp.where(adj, tf - 1.0, tf)
                ks.append(jnp.clip(k + _OFFSET, 0, _GRID - 1))
            lin = jnp.zeros((16,), jnp.int32)
            for d, w in enumerate((_GRID * _GRID, _GRID, 1)):
                g0 = jnp.take_along_axis(ks[0], tk[3 * d], axis=0)
                g1 = jnp.take_along_axis(ks[1], tk[3 * d + 1], axis=0)
                g2 = jnp.take_along_axis(ks[2], tk[3 * d + 2], axis=0)
                cd = jnp.where(sel[d][0], g0, jnp.where(sel[d][1], g1, g2))
                lin = lin + cd * w
            ids_v[pl.ds(g * 16, 16)] = lin
            return c
        lax.fori_loop(0, _NG, quant, 0)

        pltpu.sync_copy(pts_v, keys_hbm.at[pl.ds(pbase * 3, _CHUNK * 3)])
        pltpu.sync_copy(ids_v, ids_hbm.at[pl.ds(pbase, _CHUNK)])

        limit = _N - sid * _CHUNK
        zb = pl.multiple_of(sid * _ZS, 8)
        for h in range(2):
            ch_v = c0_v if h == 0 else c1_v
            plsc.subcore_barrier()

            def zloop(j, c):
                pltpu.sync_copy(
                    zeros_v, hist_sh.at[pl.ds(zb + j * zeros_v.shape[0],
                                              zeros_v.shape[0])])
                return c
            lax.fori_loop(0, 8, zloop, 0)
            pltpu.sync_copy(zeros_v.at[pl.ds(0, 8)],
                            hist_sh.at[pl.ds(zb + 65536, 8)])

            lo = h * _HALF

            def lloop(r, c):
                for u in range(8):
                    g16 = r * 128 + u * 16
                    v = ids_v[pl.ds(g16, 16)]
                    lid = v - lo
                    pos = g16 + iota
                    ok = (lid >= 0) & (lid < _HALF) & (pos < limit)
                    dummy = _HALF + (pos & 127)
                    lids_v[r, pl.ds(u * 16, 16)] = jnp.where(ok, lid, dummy)
                return c
            lax.fori_loop(0, _NI, lloop, 0)

            plsc.subcore_barrier()

            def sloop(r, c):
                pltpu.sync_copy(ones_v, hist_sh.at[lids_v.at[r]], add=True)
                return c
            lax.fori_loop(0, _NI, sloop, 0)
            plsc.subcore_barrier()

            def gloop(r, c):
                pltpu.sync_copy(hist_sh.at[lids_v.at[r]], ch_v.at[r])
                return c
            lax.fori_loop(0, _NI, gloop, 0)

        def cloop(r, c):
            for u in range(8):
                g16 = r * 128 + u * 16
                v = ids_v[pl.ds(g16, 16)]
                cnt = jnp.where(v < _HALF, c0_v[r, pl.ds(u * 16, 16)],
                                c1_v[r, pl.ds(u * 16, 16)])
                ids_v[pl.ds(g16, 16)] = cnt
            return c
        lax.fori_loop(0, _NI, cloop, 0)

        @pl.when(sid == 15)
        def _():
            pltpu.sync_copy(ids_v.at[pl.ds(0, _VALID15)],
                            cnt_hbm.at[pl.ds(pbase, _VALID15)])

        @pl.when(sid != 15)
        def _():
            pltpu.sync_copy(ids_v, cnt_hbm.at[pl.ds(pbase, _CHUNK)])

        return carry

    lax.fori_loop(0, _BPC, per_batch, 0)


def _make_kernel():
    mesh = plsc.VectorSubcoreMesh(core_axis_name="c", subcore_axis_name="s")
    return pl.kernel(
        _body,
        out_type=(
            jax.ShapeDtypeStruct((_NPTS_PAD * 3,), jnp.float32),
            jax.ShapeDtypeStruct((_NPTS_PAD,), jnp.int32),
            jax.ShapeDtypeStruct((_NPTS_PAD,), jnp.int32),
        ),
        mesh=mesh,
        scratch_types=[
            pltpu.VMEM((_CHUNK * 3,), jnp.float32),
            pltpu.VMEM((_CHUNK,), jnp.int32),
            pltpu.VMEM((_NI, 128), jnp.int32),
            pltpu.VMEM((_NI, 128), jnp.int32),
            pltpu.VMEM((_NI, 128), jnp.int32),
            pltpu.VMEM((128,), jnp.int32),
            pltpu.VMEM((8192,), jnp.int32),
            pltpu.VMEM_SHARED((_HIST,), jnp.int32),
        ],
    )


@jax.jit
def kernel(points):
    pts_flat = points.reshape(-1)
    pad = _NPTS_PAD * 3 - pts_flat.shape[0]
    pts_flat = jnp.concatenate([pts_flat, jnp.zeros((pad,), jnp.float32)])
    keys_f, ids_f, cnt_f = _make_kernel()(pts_flat)
    keys = keys_f[: _B * _N * 3].astype(jnp.int32).reshape(_B, _N, _D)
    ids = ids_f[: _B * _N].reshape(_B, _N)
    cnt = cnt_f[: _B * _N].reshape(_B, _N)
    return keys, ids, cnt, _neighbor_bin_map()

# --- scband reference (transcript-rebuilt; emitter-appended) ---
"""Pipeline reference for scband-point2-voxel-69337952027016 (READ-ONLY COPY).

The authoritative reference and input builder live on the scoring server;
editing this copy changes nothing except your own understanding.
"""

import jax, jax.numpy as jnp
import numpy as np

RADIUS = 0.1
GRID = 128      # per-dim voxel grid extent after shifting
OFFSET = 64     # shift so negative voxel keys become non-negative


def extract_bin(D):
    # identical to the torch module's extract_bin: 3^D neighbor-offset map in {-1,0,1}^D
    uplimit = 3 ** D
    binstr = [int(np.base_repr(x, base=3)) for x in range(uplimit)]
    formatstr = '%0' + str(D) + 'd'
    bin_map = [[int(x) - 1 for x in list(formatstr % bs)] for bs in binstr]
    return np.array(bin_map)


def setup_inputs(seed: int = 0) -> dict:
    key = jax.random.key(seed)
    points = jax.random.normal(key, (16, 100000, 3), dtype=jnp.float32)
    return {"points": points}


def reference(points):
    B, N, D = points.shape
    bin_map = jnp.asarray(extract_bin(D), dtype=jnp.int32)
    # voxel key per point: floor-div by radius (same as (points // radius).astype(int))
    keys = jnp.floor(points / RADIUS).astype(jnp.int32)              # [B, N, D]
    # linearize voxel keys into a bounded per-batch grid (array form of the hash table key)
    shifted = jnp.clip(keys + OFFSET, 0, GRID - 1)                   # [B, N, D]
    strides = jnp.array([GRID * GRID, GRID, 1], dtype=jnp.int32)
    linear_ids = jnp.sum(shifted * strides, axis=-1)                 # [B, N]
    # histogram over voxels: counts per voxel per batch (array form of ht[i][key]['ind'] lengths)
    batch_offsets = (jnp.arange(B, dtype=jnp.int32) * (GRID ** 3))[:, None]
    flat_ids = (linear_ids + batch_offsets).reshape(-1)              # [B*N]
    counts_flat = jnp.bincount(flat_ids, length=B * (GRID ** 3))     # scatter-add histogram
    counts_per_point = counts_flat[flat_ids].reshape(B, N)           # gather back per point
    return keys, linear_ids, counts_per_point, bin_map

if __name__ == "__main__":
    import jax
    _d = setup_inputs()
    print(jax.jit(kernel)(*tuple(_d.values())))

</pallas_src>

<mosaic_0001>
#map = affine_map<(d0, d1) -> (0)>
module attributes {stable_mosaic.version = 14 : i64} {
  func.func @_body(%arg0: i32, %arg1: i32, %arg2: memref<4801056xf32, #tpu.memory_space<hbm>>, %arg3: memref<4801056xf32, #tpu.memory_space<hbm>>, %arg4: memref<1600352xi32, #tpu.memory_space<hbm>>, %arg5: memref<1600352xi32, #tpu.memory_space<hbm>>, %arg6: memref<18816xf32, #tpu.memory_space<vmem>>, %arg7: memref<6272xi32, #tpu.memory_space<vmem>>, %arg8: memref<49x128xi32, #tpu.memory_space<vmem>>, %arg9: memref<49x128xi32, #tpu.memory_space<vmem>>, %arg10: memref<49x128xi32, #tpu.memory_space<vmem>>, %arg11: memref<128xi32, #tpu.memory_space<vmem>>, %arg12: memref<8192xi32, #tpu.memory_space<vmem>>, %arg13: memref<1048704xi32, #tpu.memory_space<vmem_shared>>) attributes {dimension_semantics = [#tpu.dimension_semantics<core_parallel>, #tpu.dimension_semantics<subcore_parallel>], iteration_bounds = array<i64: 2, 16>, scalar_prefetch = 0 : i64, scratch_operands = 8 : i64, tpu.core_type = #tpu.core_type<sc_vector_subcore>, window_params = [{transform_indices = #map}, {transform_indices = #map}, {transform_indices = #map}, {transform_indices = #map}]} {
    %iota3A = tpu.iota {dimensions = array<i32: 0>} : vector<16xi32>
    %scan3A = arith.constant 0 : i32
    %scan3A_0 = arith.constant 0 : i32
    %scan3A_1 = arith.constant 512 : i32
    %scan3A_2 = arith.addi %scan3A_0, %scan3A_1 : i32
    %scan3A_3 = arith.constant 1 : i32
    scf.for %scan3A_57 = %scan3A_0 to %scan3A_2 step %scan3A_3  : i32 {
      %broadcast_in_dim3A_58 = arith.constant 0 : i32
      %broadcast_in_dim3A_59 = vector.broadcast %broadcast_in_dim3A_58 : i32 to vector<16xi32>
      %mul3A = arith.constant 16 : i32
      %mul3A_60 = arith.muli %scan3A_57, %mul3A : i32
      %swap3A_61 = arith.index_cast %mul3A_60 : i32 to index
      %swap3A_62 = tpu.vector_load %arg12[%swap3A_61] {strides = array<i32>} : memref<8192xi32, #tpu.memory_space<vmem>>, vector<16xi32>,
      %swap3A_63 = vector.shape_cast %swap3A_62 : vector<16xi32> to vector<16xi32>
      %swap3A_64 = vector.shape_cast %broadcast_in_dim3A_59 : vector<16xi32> to vector<16xi32>
      tpu.vector_store %arg12[%swap3A_61], %swap3A_64 {strides = array<i32>} : memref<8192xi32, #tpu.memory_space<vmem>>, vector<16xi32>,
    }
    %scan3A_4 = arith.constant 512 : i32
    %broadcast_in_dim3A = arith.constant 1 : i32
    %broadcast_in_dim3A_5 = vector.broadcast %broadcast_in_dim3A : i32 to vector<16xi32>
    %swap3A = arith.constant 0 : index
    %swap3A_6 = tpu.vector_load %arg11[%swap3A] {strides = array<i32>} : memref<128xi32, #tpu.memory_space<vmem>>, vector<16xi32>,
    %swap3A_7 = vector.shape_cast %swap3A_6 : vector<16xi32> to vector<16xi32>
    %swap3A_8 = vector.shape_cast %broadcast_in_dim3A_5 : vector<16xi32> to vector<16xi32>
    tpu.vector_store %arg11[%swap3A], %swap3A_8 {strides = array<i32>} : memref<128xi32, #tpu.memory_space<vmem>>, vector<16xi32>,
    %broadcast_in_dim3A_9 = arith.constant 1 : i32
    %broadcast_in_dim3A_10 = vector.broadcast %broadcast_in_dim3A_9 : i32 to vector<16xi32>
    %swap3A_11 = arith.constant 16 : index
    %swap3A_12 = tpu.vector_load %arg11[%swap3A_11] {strides = array<i32>} : memref<128xi32, #tpu.memory_space<vmem>>, vector<16xi32>,
    %swap3A_13 = vector.shape_cast %swap3A_12 : vector<16xi32> to vector<16xi32>
    %swap3A_14 = vector.shape_cast %broadcast_in_dim3A_10 : vector<16xi32> to vector<16xi32>
    tpu.vector_store %arg11[%swap3A_11], %swap3A_14 {strides = array<i32>} : memref<128xi32, #tpu.memory_space<vmem>>, vector<16xi32>,
    %broadcast_in_dim3A_15 = arith.constant 1 : i32
    %broadcast_in_dim3A_16 = vector.broadcast %broadcast_in_dim3A_15 : i32 to vector<16xi32>
    %swap3A_17 = arith.constant 32 : index
    %swap3A_18 = tpu.vector_load %arg11[%swap3A_17] {strides = array<i32>} : memref<128xi32, #tpu.memory_space<vmem>>, vector<16xi32>,
    %swap3A_19 = vector.shape_cast %swap3A_18 : vector<16xi32> to vector<16xi32>
    %swap3A_20 = vector.shape_cast %broadcast_in_dim3A_16 : vector<16xi32> to vector<16xi32>
    tpu.vector_store %arg11[%swap3A_17], %swap3A_20 {strides = array<i32>} : memref<128xi32, #tpu.memory_space<vmem>>, vector<16xi32>,
    %broadcast_in_dim3A_21 = arith.constant 1 : i32
    %broadcast_in_dim3A_22 = vector.broadcast %broadcast_in_dim3A_21 : i32 to vector<16xi32>
    %swap3A_23 = arith.constant 48 : index
    %swap3A_24 = tpu.vector_load %arg11[%swap3A_23] {strides = array<i32>} : memref<128xi32, #tpu.memory_space<vmem>>, vector<16xi32>,
    %swap3A_25 = vector.shape_cast %swap3A_24 : vector<16xi32> to vector<16xi32>
    %swap3A_26 = vector.shape_cast %broadcast_in_dim3A_22 : vector<16xi32> to vector<16xi32>
    tpu.vector_store %arg11[%swap3A_23], %swap3A_26 {strides = array<i32>} : memref<128xi32, #tpu.memory_space<vmem>>, vector<16xi32>,
    %broadcast_in_dim3A_27 = arith.constant 1 : i32
    %broadcast_in_dim3A_28 = vector.broadcast %broadcast_in_dim3A_27 : i32 to vector<16xi32>
    %swap3A_29 = arith.constant 64 : index
    %swap3A_30 = tpu.vector_load %arg11[%swap3A_29] {strides = array<i32>} : memref<128xi32, #tpu.memory_space<vmem>>, vector<16xi32>,
    %swap3A_31 = vector.shape_cast %swap3A_30 : vector<16xi32> to vector<16xi32>
    %swap3A_32 = vector.shape_cast %broadcast_in_dim3A_28 : vector<16xi32> to vector<16xi32>
    tpu.vector_store %arg11[%swap3A_29], %swap3A_32 {strides = array<i32>} : memref<128xi32, #tpu.memory_space<vmem>>, vector<16xi32>,
    %broadcast_in_dim3A_33 = arith.constant 1 : i32
    %broadcast_in_dim3A_34 = vector.broadcast %broadcast_in_dim3A_33 : i32 to vector<16xi32>
    %swap3A_35 = arith.constant 80 : index
    %swap3A_36 = tpu.vector_load %arg11[%swap3A_35] {strides = array<i32>} : memref<128xi32, #tpu.memory_space<vmem>>, vector<16xi32>,
    %swap3A_37 = vector.shape_cast %swap3A_36 : vector<16xi32> to vector<16xi32>
    %swap3A_38 = vector.shape_cast %broadcast_in_dim3A_34 : vector<16xi32> to vector<16xi32>
    tpu.vector_store %arg11[%swap3A_35], %swap3A_38 {strides = array<i32>} : memref<128xi32, #tpu.memory_space<vmem>>, vector<16xi32>,
    %broadcast_in_dim3A_39 = arith.constant 1 : i32
    %broadcast_in_dim3A_40 = vector.broadcast %broadcast_in_dim3A_39 : i32 to vector<16xi32>
    %swap3A_41 = arith.constant 96 : index
    %swap3A_42 = tpu.vector_load %arg11[%swap3A_41] {strides = array<i32>} : memref<128xi32, #tpu.memory_space<vmem>>, vector<16xi32>,
    %swap3A_43 = vector.shape_cast %swap3A_42 : vector<16xi32> to vector<16xi32>
    %swap3A_44 = vector.shape_cast %broadcast_in_dim3A_40 : vector<16xi32> to vector<16xi32>
    tpu.vector_store %arg11[%swap3A_41], %swap3A_44 {strides = array<i32>} : memref<128xi32, #tpu.memory_space<vmem>>, vector<16xi32>,
    %broadcast_in_dim3A_45 = arith.constant 1 : i32
    %broadcast_in_dim3A_46 = vector.broadcast %broadcast_in_dim3A_45 : i32 to vector<16xi32>
    %swap3A_47 = arith.constant 112 : index
    %swap3A_48 = tpu.vector_load %arg11[%swap3A_47] {strides = array<i32>} : memref<128xi32, #tpu.memory_space<vmem>>, vector<16xi32>,
    %swap3A_49 = vector.shape_cast %swap3A_48 : vector<16xi32> to vector<16xi32>
    %swap3A_50 = vector.shape_cast %broadcast_in_dim3A_46 : vector<16xi32> to vector<16xi32>
    tpu.vector_store %arg11[%swap3A_47], %swap3A_50 {strides = array<i32>} : memref<128xi32, #tpu.memory_space<vmem>>, vector<16xi32>,
    %scan3A_51 = arith.constant 0 : i32
    %scan3A_52 = arith.constant 0 : i32
    %scan3A_53 = arith.constant 8 : i32
    %scan3A_54 = arith.addi %scan3A_52, %scan3A_53 : i32
    %scan3A_55 = arith.constant 1 : i32
    scf.for %scan3A_57 = %scan3A_52 to %scan3A_54 step %scan3A_55  : i32 {
      %mul3A = arith.constant 8 : i32
      %mul3A_58 = arith.muli %arg0, %mul3A : i32
      %add3A = arith.addi %mul3A_58, %scan3A_57 : i32
      %mul3A_59 = arith.constant 100000 : i32
      %mul3A_60 = arith.muli %add3A, %mul3A_59 : i32
      %mul3A_61 = arith.constant 6272 : i32
      %mul3A_62 = arith.muli %arg1, %mul3A_61 : i32
      %add3A_63 = arith.addi %mul3A_60, %mul3A_62 : i32
      %multiple_of3A = tpu.assume_multiple %add3A_63, 8 : i32
      %mul3A_64 = arith.constant 3 : i32
      %mul3A_65 = arith.muli %multiple_of3A, %mul3A_64 : i32
      "tpu.region"() ({
        %run_scoped3A = tpu.sem_alloc : memref<!tpu.dma_semaphore, #tpu.memory_space<semaphore_mem>>
        %dma_start3A = tpu.memref_slice %arg2[%mul3A_65] : memref<4801056xf32, #tpu.memory_space<hbm>> -> memref<18816xf32, #tpu.memory_space<hbm>>
        %dma_start3A_298 = tpu.memref_slice %arg2[%mul3A_65] : memref<4801056xf32, #tpu.memory_space<hbm>> -> memref<18816xf32, #tpu.memory_space<hbm>>
        tpu.enqueue_dma source(%dma_start3A_298 : memref<18816xf32, #tpu.memory_space<hbm>>) target(%arg6 : memref<18816xf32, #tpu.memory_space<vmem>>) target_semaphore(%run_scoped3A : memref<!tpu.dma_semaphore, #tpu.memory_space<semaphore_mem>>)
        %dma_wait3A = tpu.memref_slice %arg2[%mul3A_65] : memref<4801056xf32, #tpu.memory_space<hbm>> -> memref<18816xf32, #tpu.memory_space<hbm>>
        %dma_wait3A_299 = tpu.memref_slice %arg2[%mul3A_65] : memref<4801056xf32, #tpu.memory_space<hbm>> -> memref<18816xf32, #tpu.memory_space<hbm>>
        tpu.wait_dma2 semaphore(%run_scoped3A : memref<!tpu.dma_semaphore, #tpu.memory_space<semaphore_mem>>) src(%dma_wait3A_299 : memref<18816xf32, #tpu.memory_space<hbm>>) dst(%arg6 : memref<18816xf32, #tpu.memory_space<vmem>>)
        tpu.yield
      }) : () -> ()
      %mul3A_66 = arith.constant 3 : i32
      %mul3A_67 = vector.broadcast %mul3A_66 : i32 to vector<16xi32>
      %mul3A_68 = arith.muli %iota3A, %mul3A_67 : vector<16xi32>
      %add3A_69 = arith.constant 0 : i32
      %add3A_70 = vector.broadcast %add3A_69 : i32 to vector<16xi32>
      %add3A_71 = arith.addi %mul3A_68, %add3A_70 : vector<16xi32>
      %sub3A = arith.constant 0 : i32
      %sub3A_72 = vector.broadcast %sub3A : i32 to vector<16xi32>
      %sub3A_73 = arith.subi %add3A_71, %sub3A_72 : vector<16xi32>
      %jit3A = arith.constant 0 : i32
      %jit3A_74 = arith.constant 15 : i32
      %max3A = vector.broadcast %jit3A : i32 to vector<16xi32>
      %max3A_75 = arith.maxsi %max3A, %sub3A_73 : vector<16xi32>
      %min3A = vector.broadcast %jit3A_74 : i32 to vector<16xi32>
      %min3A_76 = arith.minsi %min3A, %max3A_75 : vector<16xi32>
      %mul3A_77 = arith.constant 3 : i32
      %mul3A_78 = vector.broadcast %mul3A_77 : i32 to vector<16xi32>
      %mul3A_79 = arith.muli %iota3A, %mul3A_78 : vector<16xi32>
      %add3A_80 = arith.constant 0 : i32
      %add3A_81 = vector.broadcast %add3A_80 : i32 to vector<16xi32>
      %add3A_82 = arith.addi %mul3A_79, %add3A_81 : vector<16xi32>
      %sub3A_83 = arith.constant 16 : i32
      %sub3A_84 = vector.broadcast %sub3A_83 : i32 to vector<16xi32>
      %sub3A_85 = arith.subi %add3A_82, %sub3A_84 : vector<16xi32>
      %jit3A_86 = arith.constant 0 : i32
      %jit3A_87 = arith.constant 15 : i32
      %max3A_88 = vector.broadcast %jit3A_86 : i32 to vector<16xi32>
      %max3A_89 = arith.maxsi %max3A_88, %sub3A_85 : vector<16xi32>
      %min3A_90 = vector.broadcast %jit3A_87 : i32 to vector<16xi32>
      %min3A_91 = arith.minsi %min3A_90, %max3A_89 : vector<16xi32>
      %mul3A_92 = arith.constant 3 : i32
      %mul3A_93 = vector.broadcast %mul3A_92 : i32 to vector<16xi32>
      %mul3A_94 = arith.muli %iota3A, %mul3A_93 : vector<16xi32>
      %add3A_95 = arith.constant 0 : i32
      %add3A_96 = vector.broadcast %add3A_95 : i32 to vector<16xi32>
      %add3A_97 = arith.addi %mul3A_94, %add3A_96 : vector<16xi32>
      %sub3A_98 = arith.constant 32 : i32
      %sub3A_99 = vector.broadcast %sub3A_98 : i32 to vector<16xi32>
      %sub3A_100 = arith.subi %add3A_97, %sub3A_99 : vector<16xi32>
      %jit3A_101 = arith.constant 0 : i32
      %jit3A_102 = arith.constant 15 : i32
      %max3A_103 = vector.broadcast %jit3A_101 : i32 to vector<16xi32>
      %max3A_104 = arith.maxsi %max3A_103, %sub3A_100 : vector<16xi32>
      %min3A_105 = vector.broadcast %jit3A_102 : i32 to vector<16xi32>
      %min3A_106 = arith.minsi %min3A_105, %max3A_104 : vector<16xi32>
      %mul3A_107 = arith.constant 3 : i32
      %mul3A_108 = vector.broadcast %mul3A_107 : i32 to vector<16xi32>
      %mul3A_109 = arith.muli %iota3A, %mul3A_108 : vector<16xi32>
      %add3A_110 = arith.constant 1 : i32
      %add3A_111 = vector.broadcast %add3A_110 : i32 to vector<16xi32>
      %add3A_112 = arith.addi %mul3A_109, %add3A_111 : vector<16xi32>
      %sub3A_113 = arith.constant 0 : i32
      %sub3A_114 = vector.broadcast %sub3A_113 : i32 to vector<16xi32>
      %sub3A_115 = arith.subi %add3A_112, %sub3A_114 : vector<16xi32>
      %jit3A_116 = arith.constant 0 : i32
      %jit3A_117 = arith.constant 15 : i32
      %max3A_118 = vector.broadcast %jit3A_116 : i32 to vector<16xi32>
      %max3A_119 = arith.maxsi %max3A_118, %sub3A_115 : vector<16xi32>
      %min3A_120 = vector.broadcast %jit3A_117 : i32 to vector<16xi32>
      %min3A_121 = arith.minsi %min3A_120, %max3A_119 : vector<16xi32>
      %mul3A_122 = arith.constant 3 : i32
      %mul3A_123 = vector.broadcast %mul3A_122 : i32 to vector<16xi32>
      %mul3A_124 = arith.muli %iota3A, %mul3A_123 : vector<16xi32>
      %add3A_125 = arith.constant 1 : i32
      %add3A_126 = vector.broadcast %add3A_125 : i32 to vector<16xi32>
      %add3A_127 = arith.addi %mul3A_124, %add3A_126 : vector<16xi32>
      %sub3A_128 = arith.constant 16 : i32
      %sub3A_129 = vector.broadcast %sub3A_128 : i32 to vector<16xi32>
      %sub3A_130 = arith.subi %add3A_127, %sub3A_129 : vector<16xi32>
      %jit3A_131 = arith.constant 0 : i32
      %jit3A_132 = arith.constant 15 : i32
      %max3A_133 = vector.broadcast %jit3A_131 : i32 to vector<16xi32>
      %max3A_134 = arith.maxsi %max3A_133, %sub3A_130 : vector<16xi32>
      %min3A_135 = vector.broadcast %jit3A_132 : i32 to vector<16xi32>
      %min3A_136 = arith.minsi %min3A_135, %max3A_134 : vector<16xi32>
      %mul3A_137 = arith.constant 3 : i32
      %mul3A_138 = vector.broadcast %mul3A_137 : i32 to vector<16xi32>
      %mul3A_139 = arith.muli %iota3A, %mul3A_138 : vector<16xi32>
      %add3A_140 = arith.constant 1 : i32
      %add3A_141 = vector.broadcast %add3A_140 : i32 to vector<16xi32>
      %add3A_142 = arith.addi %mul3A_139, %add3A_141 : vector<16xi32>
      %sub3A_143 = arith.constant 32 : i32
      %sub3A_144 = vector.broadcast %sub3A_143 : i32 to vector<16xi32>
      %sub3A_145 = arith.subi %add3A_142, %sub3A_144 : vector<16xi32>
      %jit3A_146 = arith.constant 0 : i32
      %jit3A_147 = arith.constant 15 : i32
      %max3A_148 = vector.broadcast %jit3A_146 : i32 to vector<16xi32>
      %max3A_149 = arith.maxsi %max3A_148, %sub3A_145 : vector<16xi32>
      %min3A_150 = vector.broadcast %jit3A_147 : i32 to vector<16xi32>
      %min3A_151 = arith.minsi %min3A_150, %max3A_149 : vector<16xi32>
      %mul3A_152 = arith.constant 3 : i32
      %mul3A_153 = vector.broadcast %mul3A_152 : i32 to vector<16xi32>
      %mul3A_154 = arith.muli %iota3A, %mul3A_153 : vector<16xi32>
      %add3A_155 = arith.constant 2 : i32
      %add3A_156 = vector.broadcast %add3A_155 : i32 to vector<16xi32>
      %add3A_157 = arith.addi %mul3A_154, %add3A_156 : vector<16xi32>
      %sub3A_158 = arith.constant 0 : i32
      %sub3A_159 = vector.broadcast %sub3A_158 : i32 to vector<16xi32>
      %sub3A_160 = arith.subi %add3A_157, %sub3A_159 : vector<16xi32>
      %jit3A_161 = arith.constant 0 : i32
      %jit3A_162 = arith.constant 15 : i32
      %max3A_163 = vector.broadcast %jit3A_161 : i32 to vector<16xi32>
      %max3A_164 = arith.maxsi %max3A_163, %sub3A_160 : vector<16xi32>
      %min3A_165 = vector.broadcast %jit3A_162 : i32 to vector<16xi32>
      %min3A_166 = arith.minsi %min3A_165, %max3A_164 : vector<16xi32>
      %mul3A_167 = arith.constant 3 : i32
      %mul3A_168 = vector.broadcast %mul3A_167 : i32 to vector<16xi32>
      %mul3A_169 = arith.muli %iota3A, %mul3A_168 : vector<16xi32>
      %add3A_170 = arith.constant 2 : i32
      %add3A_171 = vector.broadcast %add3A_170 : i32 to vector<16xi32>
      %add3A_172 = arith.addi %mul3A_169, %add3A_171 : vector<16xi32>
      %sub3A_173 = arith.constant 16 : i32
      %sub3A_174 = vector.broadcast %sub3A_173 : i32 to vector<16xi32>
      %sub3A_175 = arith.subi %add3A_172, %sub3A_174 : vector<16xi32>
      %jit3A_176 = arith.constant 0 : i32
      %jit3A_177 = arith.constant 15 : i32
      %max3A_178 = vector.broadcast %jit3A_176 : i32 to vector<16xi32>
      %max3A_179 = arith.maxsi %max3A_178, %sub3A_175 : vector<16xi32>
      %min3A_180 = vector.broadcast %jit3A_177 : i32 to vector<16xi32>
      %min3A_181 = arith.minsi %min3A_180, %max3A_179 : vector<16xi32>
      %mul3A_182 = arith.constant 3 : i32
      %mul3A_183 = vector.broadcast %mul3A_182 : i32 to vector<16xi32>
      %mul3A_184 = arith.muli %iota3A, %mul3A_183 : vector<16xi32>
      %add3A_185 = arith.constant 2 : i32
      %add3A_186 = vector.broadcast %add3A_185 : i32 to vector<16xi32>
      %add3A_187 = arith.addi %mul3A_184, %add3A_186 : vector<16xi32>
      %sub3A_188 = arith.constant 32 : i32
      %sub3A_189 = vector.broadcast %sub3A_188 : i32 to vector<16xi32>
      %sub3A_190 = arith.subi %add3A_187, %sub3A_189 : vector<16xi32>
      %jit3A_191 = arith.constant 0 : i32
      %jit3A_192 = arith.constant 15 : i32
      %max3A_193 = vector.broadcast %jit3A_191 : i32 to vector<16xi32>
      %max3A_194 = arith.maxsi %max3A_193, %sub3A_190 : vector<16xi32>
      %min3A_195 = vector.broadcast %jit3A_192 : i32 to vector<16xi32>
      %min3A_196 = arith.minsi %min3A_195, %max3A_194 : vector<16xi32>
      %lt3A = arith.constant 6 : i32
      %lt3A_197 = vector.broadcast %lt3A : i32 to vector<16xi32>
      %lt3A_198 = arith.cmpi slt, %iota3A, %lt3A_197 : vector<16xi32>
      %lt3A_199 = arith.constant 11 : i32
      %lt3A_200 = vector.broadcast %lt3A_199 : i32 to vector<16xi32>
      %lt3A_201 = arith.cmpi slt, %iota3A, %lt3A_200 : vector<16xi32>
      %lt3A_202 = arith.constant 5 : i32
      %lt3A_203 = vector.broadcast %lt3A_202 : i32 to vector<16xi32>
      %lt3A_204 = arith.cmpi slt, %iota3A, %lt3A_203 : vector<16xi32>
      %lt3A_205 = arith.constant 11 : i32
      %lt3A_206 = vector.broadcast %lt3A_205 : i32 to vector<16xi32>
      %lt3A_207 = arith.cmpi slt, %iota3A, %lt3A_206 : vector<16xi32>
      %lt3A_208 = arith.constant 5 : i32
      %lt3A_209 = vector.broadcast %lt3A_208 : i32 to vector<16xi32>
      %lt3A_210 = arith.cmpi slt, %iota3A, %lt3A_209 : vector<16xi32>
      %lt3A_211 = arith.constant 10 : i32
      %lt3A_212 = vector.broadcast %lt3A_211 : i32 to vector<16xi32>
      %lt3A_213 = arith.cmpi slt, %iota3A, %lt3A_212 : vector<16xi32>
      %scan3A_214 = arith.constant 0 : i32
      %scan3A_215 = arith.constant 0 : i32
      %scan3A_216 = arith.constant 392 : i32
      %scan3A_217 = arith.addi %scan3A_215, %scan3A_216 : i32
      %scan3A_218 = arith.constant 1 : i32
      scf.for %scan3A_298 = %scan3A_215 to %scan3A_217 step %scan3A_218  : i32 {
        %mul3A_299 = arith.constant 48 : i32
        %mul3A_300 = arith.muli %scan3A_298, %mul3A_299 : i32
        %add3A_301 = arith.constant 0 : i32
        %add3A_302 = arith.addi %mul3A_300, %add3A_301 : i32
        %get3A = arith.index_cast %add3A_302 : i32 to index
        %get3A_303 = tpu.vector_load %arg6[%get3A] {strides = array<i32>} : memref<18816xf32, #tpu.memory_space<vmem>>, vector<16xf32>,
        %get3A_304 = vector.shape_cast %get3A_303 : vector<16xf32> to vector<16xf32>
        %div3A = arith.constant 1.000000e-01 : f32
        %div3A_305 = vector.broadcast %div3A : f32 to vector<16xf32>
        %div3A_306 = arith.divf %get3A_304, %div3A_305 : vector<16xf32>
        %convert_element_type3A_307 = arith.fptosi %div3A_306 : vector<16xf32> to vector<16xi32>
        %convert_element_type3A_308 = arith.sitofp %convert_element_type3A_307 : vector<16xi32> to vector<16xf32>
        %gt3A = arith.cmpf ogt, %convert_element_type3A_308, %div3A_306 : vector<16xf32>
        %sub3A_309 = arith.constant 1 : i32
        %sub3A_310 = vector.broadcast %sub3A_309 : i32 to vector<16xi32>
        %sub3A_311 = arith.subi %convert_element_type3A_307, %sub3A_310 : vector<16xi32>
        %select_n3A = arith.select %gt3A, %sub3A_311, %convert_element_type3A_307 : vector<16xi1>, vector<16xi32>
        %sub3A_312 = arith.constant 1.000000e+00 : f32
        %sub3A_313 = vector.broadcast %sub3A_312 : f32 to vector<16xf32>
        %sub3A_314 = arith.subf %convert_element_type3A_308, %sub3A_313 : vector<16xf32>
        %select_n3A_315 = arith.select %gt3A, %sub3A_314, %convert_element_type3A_308 : vector<16xi1>, vector<16xf32>
        %add3A_316 = arith.constant 0 : i32
        %add3A_317 = arith.addi %mul3A_300, %add3A_316 : i32
        %swap3A_318 = arith.index_cast %add3A_317 : i32 to index
        %swap3A_319 = tpu.vector_load %arg6[%swap3A_318] {strides = array<i32>} : memref<18816xf32, #tpu.memory_space<vmem>>, vector<16xf32>,
        %swap3A_320 = vector.shape_cast %swap3A_319 : vector<16xf32> to vector<16xf32>
        %swap3A_321 = vector.shape_cast %select_n3A_315 : vector<16xf32> to vector<16xf32>
        tpu.vector_store %arg6[%swap3A_318], %swap3A_321 {strides = array<i32>} : memref<18816xf32, #tpu.memory_space<vmem>>, vector<16xf32>,
        %add3A_322 = arith.constant 64 : i32
        %add3A_323 = vector.broadcast %add3A_322 : i32 to vector<16xi32>
        %add3A_324 = arith.addi %select_n3A, %add3A_323 : vector<16xi32>
        %jit3A_325 = arith.constant 0 : i32
        %jit3A_326 = arith.constant 127 : i32
        %max3A_327 = vector.broadcast %jit3A_325 : i32 to vector<16xi32>
        %max3A_328 = arith.maxsi %max3A_327, %add3A_324 : vector<16xi32>
        %min3A_329 = vector.broadcast %jit3A_326 : i32 to vector<16xi32>
        %min3A_330 = arith.minsi %min3A_329, %max3A_328 : vector<16xi32>
        %add3A_331 = arith.constant 16 : i32
        %add3A_332 = arith.addi %mul3A_300, %add3A_331 : i32
        %get3A_333 = arith.index_cast %add3A_332 : i32 to index
        %get3A_334 = tpu.vector_load %arg6[%get3A_333] {strides = array<i32>} : memref<18816xf32, #tpu.memory_space<vmem>>, vector<16xf32>,
        %get3A_335 = vector.shape_cast %get3A_334 : vector<16xf32> to vector<16xf32>
        %div3A_336 = arith.constant 1.000000e-01 : f32
        %div3A_337 = vector.broadcast %div3A_336 : f32 to vector<16xf32>
        %div3A_338 = arith.divf %get3A_335, %div3A_337 : vector<16xf32>
        %convert_element_type3A_339 = arith.fptosi %div3A_338 : vector<16xf32> to vector<16xi32>
        %convert_element_type3A_340 = arith.sitofp %convert_element_type3A_339 : vector<16xi32> to vector<16xf32>
        %gt3A_341 = arith.cmpf ogt, %convert_element_type3A_340, %div3A_338 : vector<16xf32>
        %sub3A_342 = arith.constant 1 : i32
        %sub3A_343 = vector.broadcast %sub3A_342 : i32 to vector<16xi32>
        %sub3A_344 = arith.subi %convert_element_type3A_339, %sub3A_343 : vector<16xi32>
        %select_n3A_345 = arith.select %gt3A_341, %sub3A_344, %convert_element_type3A_339 : vector<16xi1>, vector<16xi32>
        %sub3A_346 = arith.constant 1.000000e+00 : f32
        %sub3A_347 = vector.broadcast %sub3A_346 : f32 to vector<16xf32>
        %sub3A_348 = arith.subf %convert_element_type3A_340, %sub3A_347 : vector<16xf32>
        %select_n3A_349 = arith.select %gt3A_341, %sub3A_348, %convert_element_type3A_340 : vector<16xi1>, vector<16xf32>
        %add3A_350 = arith.constant 16 : i32
        %add3A_351 = arith.addi %mul3A_300, %add3A_350 : i32
        %swap3A_352 = arith.index_cast %add3A_351 : i32 to index
        %swap3A_353 = tpu.vector_load %arg6[%swap3A_352] {strides = array<i32>} : memref<18816xf32, #tpu.memory_space<vmem>>, vector<16xf32>,
        %swap3A_354 = vector.shape_cast %swap3A_353 : vector<16xf32> to vector<16xf32>
        %swap3A_355 = vector.shape_cast %select_n3A_349 : vector<16xf32> to vector<16xf32>
        tpu.vector_store %arg6[%swap3A_352], %swap3A_355 {strides = array<i32>} : memref<18816xf32, #tpu.memory_space<vmem>>, vector<16xf32>,
        %add3A_356 = arith.constant 64 : i32
        %add3A_357 = vector.broadcast %add3A_356 : i32 to vector<16xi32>
        %add3A_358 = arith.addi %select_n3A_345, %add3A_357 : vector<16xi32>
        %jit3A_359 = arith.constant 0 : i32
        %jit3A_360 = arith.constant 127 : i32
        %max3A_361 = vector.broadcast %jit3A_359 : i32 to vector<16xi32>
        %max3A_362 = arith.maxsi %max3A_361, %add3A_358 : vector<16xi32>
        %min3A_363 = vector.broadcast %jit3A_360 : i32 to vector<16xi32>
        %min3A_364 = arith.minsi %min3A_363, %max3A_362 : vector<16xi32>
        %add3A_365 = arith.constant 32 : i32
        %add3A_366 = arith.addi %mul3A_300, %add3A_365 : i32
        %get3A_367 = arith.index_cast %add3A_366 : i32 to index
        %get3A_368 = tpu.vector_load %arg6[%get3A_367] {strides = array<i32>} : memref<18816xf32, #tpu.memory_space<vmem>>, vector<16xf32>,
        %get3A_369 = vector.shape_cast %get3A_368 : vector<16xf32> to vector<16xf32>
        %div3A_370 = arith.constant 1.000000e-01 : f32
        %div3A_371 = vector.broadcast %div3A_370 : f32 to vector<16xf32>
        %div3A_372 = arith.divf %get3A_369, %div3A_371 : vector<16xf32>
        %convert_element_type3A_373 = arith.fptosi %div3A_372 : vector<16xf32> to vector<16xi32>
        %convert_element_type3A_374 = arith.sitofp %convert_element_type3A_373 : vector<16xi32> to vector<16xf32>
        %gt3A_375 = arith.cmpf ogt, %convert_element_type3A_374, %div3A_372 : vector<16xf32>
        %sub3A_376 = arith.constant 1 : i32
        %sub3A_377 = vector.broadcast %sub3A_376 : i32 to vector<16xi32>
        %sub3A_378 = arith.subi %convert_element_type3A_373, %sub3A_377 : vector<16xi32>
        %select_n3A_379 = arith.select %gt3A_375, %sub3A_378, %convert_element_type3A_373 : vector<16xi1>, vector<16xi32>
        %sub3A_380 = arith.constant 1.000000e+00 : f32
        %sub3A_381 = vector.broadcast %sub3A_380 : f32 to vector<16xf32>
        %sub3A_382 = arith.subf %convert_element_type3A_374, %sub3A_381 : vector<16xf32>
        %select_n3A_383 = arith.select %gt3A_375, %sub3A_382, %convert_element_type3A_374 : vector<16xi1>, vector<16xf32>
        %add3A_384 = arith.constant 32 : i32
        %add3A_385 = arith.addi %mul3A_300, %add3A_384 : i32
        %swap3A_386 = arith.index_cast %add3A_385 : i32 to index
        %swap3A_387 = tpu.vector_load %arg6[%swap3A_386] {strides = array<i32>} : memref<18816xf32, #tpu.memory_space<vmem>>, vector<16xf32>,
        %swap3A_388 = vector.shape_cast %swap3A_387 : vector<16xf32> to vector<16xf32>
        %swap3A_389 = vector.shape_cast %select_n3A_383 : vector<16xf32> to vector<16xf32>
        tpu.vector_store %arg6[%swap3A_386], %swap3A_389 {strides = array<i32>} : memref<18816xf32, #tpu.memory_space<vmem>>, vector<16xf32>,
        %add3A_390 = arith.constant 64 : i32
        %add3A_391 = vector.broadcast %add3A_390 : i32 to vector<16xi32>
        %add3A_392 = arith.addi %select_n3A_379, %add3A_391 : vector<16xi32>
        %jit3A_393 = arith.constant 0 : i32
        %jit3A_394 = arith.constant 127 : i32
        %max3A_395 = vector.broadcast %jit3A_393 : i32 to vector<16xi32>
        %max3A_396 = arith.maxsi %max3A_395, %add3A_392 : vector<16xi32>
        %min3A_397 = vector.broadcast %jit3A_394 : i32 to vector<16xi32>
        %min3A_398 = arith.minsi %min3A_397, %max3A_396 : vector<16xi32>
        %broadcast_in_dim3A_399 = arith.constant 0 : i32
        %broadcast_in_dim3A_400 = vector.broadcast %broadcast_in_dim3A_399 : i32 to vector<16xi32>
        %lt3A_401 = arith.constant 0 : i32
        %lt3A_402 = vector.broadcast %lt3A_401 : i32 to vector<16xi32>
        %lt3A_403 = arith.cmpi slt, %min3A_76, %lt3A_402 : vector<16xi32>
        %add3A_404 = arith.constant 16 : i32
        %add3A_405 = vector.broadcast %add3A_404 : i32 to vector<16xi32>
        %add3A_406 = arith.addi %min3A_76, %add3A_405 : vector<16xi32>
        %select_n3A_407 = arith.select %lt3A_403, %add3A_406, %min3A_76 : vector<16xi1>, vector<16xi32>
        %reshape3A = vector.shape_cast %select_n3A_407 : vector<16xi32> to vector<16x1xi32>
        %gather3A = vector.shape_cast %reshape3A : vector<16x1xi32> to vector<16xi32>
        %gather3A_408 = tpu.dynamic_gather %min3A_330[%gather3A] in [0] : vector<16xi32>, vector<16xi32> -> vector<16xi32>
        %lt3A_409 = arith.constant 0 : i32
        %lt3A_410 = vector.broadcast %lt3A_409 : i32 to vector<16xi32>
        %lt3A_411 = arith.cmpi slt, %min3A_91, %lt3A_410 : vector<16xi32>
        %add3A_412 = arith.constant 16 : i32
        %add3A_413 = vector.broadcast %add3A_412 : i32 to vector<16xi32>
        %add3A_414 = arith.addi %min3A_91, %add3A_413 : vector<16xi32>
        %select_n3A_415 = arith.select %lt3A_411, %add3A_414, %min3A_91 : vector<16xi1>, vector<16xi32>
        %reshape3A_416 = vector.shape_cast %select_n3A_415 : vector<16xi32> to vector<16x1xi32>
        %gather3A_417 = vector.shape_cast %reshape3A_416 : vector<16x1xi32> to vector<16xi32>
        %gather3A_418 = tpu.dynamic_gather %min3A_364[%gather3A_417] in [0] : vector<16xi32>, vector<16xi32> -> vector<16xi32>
        %lt3A_419 = arith.constant 0 : i32
        %lt3A_420 = vector.broadcast %lt3A_419 : i32 to vector<16xi32>
        %lt3A_421 = arith.cmpi slt, %min3A_106, %lt3A_420 : vector<16xi32>
        %add3A_422 = arith.constant 16 : i32
        %add3A_423 = vector.broadcast %add3A_422 : i32 to vector<16xi32>
        %add3A_424 = arith.addi %min3A_106, %add3A_423 : vector<16xi32>
        %select_n3A_425 = arith.select %lt3A_421, %add3A_424, %min3A_106 : vector<16xi1>, vector<16xi32>
        %reshape3A_426 = vector.shape_cast %select_n3A_425 : vector<16xi32> to vector<16x1xi32>
        %gather3A_427 = vector.shape_cast %reshape3A_426 : vector<16x1xi32> to vector<16xi32>
        %gather3A_428 = tpu.dynamic_gather %min3A_398[%gather3A_427] in [0] : vector<16xi32>, vector<16xi32> -> vector<16xi32>
        %select_n3A_429 = arith.select %lt3A_201, %gather3A_418, %gather3A_428 : vector<16xi1>, vector<16xi32>
        %select_n3A_430 = arith.select %lt3A_198, %gather3A_408, %select_n3A_429 : vector<16xi1>, vector<16xi32>
        %mul3A_431 = arith.constant 16384 : i32
        %mul3A_432 = vector.broadcast %mul3A_431 : i32 to vector<16xi32>
        %mul3A_433 = arith.muli %select_n3A_430, %mul3A_432 : vector<16xi32>
        %add3A_434 = arith.addi %broadcast_in_dim3A_400, %mul3A_433 : vector<16xi32>
        %lt3A_435 = arith.constant 0 : i32
        %lt3A_436 = vector.broadcast %lt3A_435 : i32 to vector<16xi32>
        %lt3A_437 = arith.cmpi slt, %min3A_121, %lt3A_436 : vector<16xi32>
        %add3A_438 = arith.constant 16 : i32
        %add3A_439 = vector.broadcast %add3A_438 : i32 to vector<16xi32>
        %add3A_440 = arith.addi %min3A_121, %add3A_439 : vector<16xi32>
        %select_n3A_441 = arith.select %lt3A_437, %add3A_440, %min3A_121 : vector<16xi1>, vector<16xi32>
        %reshape3A_442 = vector.shape_cast %select_n3A_441 : vector<16xi32> to vector<16x1xi32>
        %gather3A_443 = vector.shape_cast %reshape3A_442 : vector<16x1xi32> to vector<16xi32>
        %gather3A_444 = tpu.dynamic_gather %min3A_330[%gather3A_443] in [0] : vector<16xi32>, vector<16xi32> -> vector<16xi32>
        %lt3A_445 = arith.constant 0 : i32
        %lt3A_446 = vector.broadcast %lt3A_445 : i32 to vector<16xi32>
        %lt3A_447 = arith.cmpi slt, %min3A_136, %lt3A_446 : vector<16xi32>
        %add3A_448 = arith.constant 16 : i32
        %add3A_449 = vector.broadcast %add3A_448 : i32 to vector<16xi32>
        %add3A_450 = arith.addi %min3A_136, %add3A_449 : vector<16xi32>
        %select_n3A_451 = arith.select %lt3A_447, %add3A_450, %min3A_136 : vector<16xi1>, vector<16xi32>
        %reshape3A_452 = vector.shape_cast %select_n3A_451 : vector<16xi32> to vector<16x1xi32>
        %gather3A_453 = vector.shape_cast %reshape3A_452 : vector<16x1xi32> to vector<16xi32>
        %gather3A_454 = tpu.dynamic_gather %min3A_364[%gather3A_453] in [0] : vector<16xi32>, vector<16xi32> -> vector<16xi32>
        %lt3A_455 = arith.constant 0 : i32
        %lt3A_456 = vector.broadcast %lt3A_455 : i32 to vector<16xi32>
        %lt3A_457 = arith.cmpi slt, %min3A_151, %lt3A_456 : vector<16xi32>
        %add3A_458 = arith.constant 16 : i32
        %add3A_459 = vector.broadcast %add3A_458 : i32 to vector<16xi32>
        %add3A_460 = arith.addi %min3A_151, %add3A_459 : vector<16xi32>
        %select_n3A_461 = arith.select %lt3A_457, %add3A_460, %min3A_151 : vector<16xi1>, vector<16xi32>
        %reshape3A_462 = vector.shape_cast %select_n3A_461 : vector<16xi32> to vector<16x1xi32>
        %gather3A_463 = vector.shape_cast %reshape3A_462 : vector<16x1xi32> to vector<16xi32>
        %gather3A_464 = tpu.dynamic_gather %min3A_398[%gather3A_463] in [0] : vector<16xi32>, vector<16xi32> -> vector<16xi32>
        %select_n3A_465 = arith.select %lt3A_207, %gather3A_454, %gather3A_464 : vector<16xi1>, vector<16xi32>
        %select_n3A_466 = arith.select %lt3A_204, %gather3A_444, %select_n3A_465 : vector<16xi1>, vector<16xi32>
        %mul3A_467 = arith.constant 128 : i32
        %mul3A_468 = vector.broadcast %mul3A_467 : i32 to vector<16xi32>
        %mul3A_469 = arith.muli %select_n3A_466, %mul3A_468 : vector<16xi32>
        %add3A_470 = arith.addi %add3A_434, %mul3A_469 : vector<16xi32>
        %lt3A_471 = arith.constant 0 : i32
        %lt3A_472 = vector.broadcast %lt3A_471 : i32 to vector<16xi32>
        %lt3A_473 = arith.cmpi slt, %min3A_166, %lt3A_472 : vector<16xi32>
        %add3A_474 = arith.constant 16 : i32
        %add3A_475 = vector.broadcast %add3A_474 : i32 to vector<16xi32>
        %add3A_476 = arith.addi %min3A_166, %add3A_475 : vector<16xi32>
        %select_n3A_477 = arith.select %lt3A_473, %add3A_476, %min3A_166 : vector<16xi1>, vector<16xi32>
        %reshape3A_478 = vector.shape_cast %select_n3A_477 : vector<16xi32> to vector<16x1xi32>
        %gather3A_479 = vector.shape_cast %reshape3A_478 : vector<16x1xi32> to vector<16xi32>
        %gather3A_480 = tpu.dynamic_gather %min3A_330[%gather3A_479] in [0] : vector<16xi32>, vector<16xi32> -> vector<16xi32>
        %lt3A_481 = arith.constant 0 : i32
        %lt3A_482 = vector.broadcast %lt3A_481 : i32 to vector<16xi32>
        %lt3A_483 = arith.cmpi slt, %min3A_181, %lt3A_482 : vector<16xi32>
        %add3A_484 = arith.constant 16 : i32
        %add3A_485 = vector.broadcast %add3A_484 : i32 to vector<16xi32>
        %add3A_486 = arith.addi %min3A_181, %add3A_485 : vector<16xi32>
        %select_n3A_487 = arith.select %lt3A_483, %add3A_486, %min3A_181 : vector<16xi1>, vector<16xi32>
        %reshape3A_488 = vector.shape_cast %select_n3A_487 : vector<16xi32> to vector<16x1xi32>
        %gather3A_489 = vector.shape_cast %reshape3A_488 : vector<16x1xi32> to vector<16xi32>
        %gather3A_490 = tpu.dynamic_gather %min3A_364[%gather3A_489] in [0] : vector<16xi32>, vector<16xi32> -> vector<16xi32>
        %lt3A_491 = arith.constant 0 : i32
        %lt3A_492 = vector.broadcast %lt3A_491 : i32 to vector<16xi32>
        %lt3A_493 = arith.cmpi slt, %min3A_196, %lt3A_492 : vector<16xi32>
        %add3A_494 = arith.constant 16 : i32
        %add3A_495 = vector.broadcast %add3A_494 : i32 to vector<16xi32>
        %add3A_496 = arith.addi %min3A_196, %add3A_495 : vector<16xi32>
        %select_n3A_497 = arith.select %lt3A_493, %add3A_496, %min3A_196 : vector<16xi1>, vector<16xi32>
        %reshape3A_498 = vector.shape_cast %select_n3A_497 : vector<16xi32> to vector<16x1xi32>
        %gather3A_499 = vector.shape_cast %reshape3A_498 : vector<16x1xi32> to vector<16xi32>
        %gather3A_500 = tpu.dynamic_gather %min3A_398[%gather3A_499] in [0] : vector<16xi32>, vector<16xi32> -> vector<16xi32>
        %select_n3A_501 = arith.select %lt3A_213, %gather3A_490, %gather3A_500 : vector<16xi1>, vector<16xi32>
        %select_n3A_502 = arith.select %lt3A_210, %gather3A_480, %select_n3A_501 : vector<16xi1>, vector<16xi32>
        %mul3A_503 = arith.constant 1 : i32
        %mul3A_504 = vector.broadcast %mul3A_503 : i32 to vector<16xi32>
        %mul3A_505 = arith.muli %select_n3A_502, %mul3A_504 : vector<16xi32>
        %add3A_506 = arith.addi %add3A_470, %mul3A_505 : vector<16xi32>
        %mul3A_507 = arith.constant 16 : i32
        %mul3A_508 = arith.muli %scan3A_298, %mul3A_507 : i32
        %swap3A_509 = arith.index_cast %mul3A_508 : i32 to index
        %swap3A_510 = tpu.vector_load %arg7[%swap3A_509] {strides = array<i32>} : memref<6272xi32, #tpu.memory_space<vmem>>, vector<16xi32>,
        %swap3A_511 = vector.shape_cast %swap3A_510 : vector<16xi32> to vector<16xi32>
        %swap3A_512 = vector.shape_cast %add3A_506 : vector<16xi32> to vector<16xi32>
        tpu.vector_store %arg7[%swap3A_509], %swap3A_512 {strides = array<i32>} : memref<6272xi32, #tpu.memory_space<vmem>>, vector<16xi32>,
      }
      %scan3A_219 = arith.constant 392 : i32
      %mul3A_220 = arith.constant 3 : i32
      %mul3A_221 = arith.muli %multiple_of3A, %mul3A_220 : i32
      "tpu.region"() ({
        %run_scoped3A = tpu.sem_alloc : memref<!tpu.dma_semaphore, #tpu.memory_space<semaphore_mem>>
        %dma_start3A = tpu.memref_slice %arg3[%mul3A_221] : memref<4801056xf32, #tpu.memory_space<hbm>> -> memref<18816xf32, #tpu.memory_space<hbm>>
        %dma_start3A_298 = tpu.memref_slice %arg3[%mul3A_221] : memref<4801056xf32, #tpu.memory_space<hbm>> -> memref<18816xf32, #tpu.memory_space<hbm>>
        tpu.enqueue_dma source(%arg6 : memref<18816xf32, #tpu.memory_space<vmem>>) target(%dma_start3A_298 : memref<18816xf32, #tpu.memory_space<hbm>>) target_semaphore(%run_scoped3A : memref<!tpu.dma_semaphore, #tpu.memory_space<semaphore_mem>>)
        %dma_wait3A = tpu.memref_slice %arg3[%mul3A_221] : memref<4801056xf32, #tpu.memory_space<hbm>> -> memref<18816xf32, #tpu.memory_space<hbm>>
        %dma_wait3A_299 = tpu.memref_slice %arg3[%mul3A_221] : memref<4801056xf32, #tpu.memory_space<hbm>> -> memref<18816xf32, #tpu.memory_space<hbm>>
        tpu.wait_dma2 semaphore(%run_scoped3A : memref<!tpu.dma_semaphore, #tpu.memory_space<semaphore_mem>>) src(%arg6 : memref<18816xf32, #tpu.memory_space<vmem>>) dst(%dma_wait3A_299 : memref<18816xf32, #tpu.memory_space<hbm>>)
        tpu.yield
      }) : () -> ()
      "tpu.region"() ({
        %run_scoped3A = tpu.sem_alloc : memref<!tpu.dma_semaphore, #tpu.memory_space<semaphore_mem>>
        %dma_start3A = tpu.memref_slice %arg4[%multiple_of3A] : memref<1600352xi32, #tpu.memory_space<hbm>> -> memref<6272xi32, #tpu.memory_space<hbm>>
        %dma_start3A_298 = tpu.memref_slice %arg4[%multiple_of3A] : memref<1600352xi32, #tpu.memory_space<hbm>> -> memref<6272xi32, #tpu.memory_space<hbm>>
        tpu.enqueue_dma source(%arg7 : memref<6272xi32, #tpu.memory_space<vmem>>) target(%dma_start3A_298 : memref<6272xi32, #tpu.memory_space<hbm>>) target_semaphore(%run_scoped3A : memref<!tpu.dma_semaphore, #tpu.memory_space<semaphore_mem>>)
        %dma_wait3A = tpu.memref_slice %arg4[%multiple_of3A] : memref<1600352xi32, #tpu.memory_space<hbm>> -> memref<6272xi32, #tpu.memory_space<hbm>>
        %dma_wait3A_299 = tpu.memref_slice %arg4[%multiple_of3A] : memref<1600352xi32, #tpu.memory_space<hbm>> -> memref<6272xi32, #tpu.memory_space<hbm>>
        tpu.wait_dma2 semaphore(%run_scoped3A : memref<!tpu.dma_semaphore, #tpu.memory_space<semaphore_mem>>) src(%arg7 : memref<6272xi32, #tpu.memory_space<vmem>>) dst(%dma_wait3A_299 : memref<6272xi32, #tpu.memory_space<hbm>>)
        tpu.yield
      }) : () -> ()
      %mul3A_222 = arith.constant 6272 : i32
      %mul3A_223 = arith.muli %arg1, %mul3A_222 : i32
      %sub3A_224 = arith.constant 100000 : i32
      %sub3A_225 = arith.subi %sub3A_224, %mul3A_223 : i32
      %mul3A_226 = arith.constant 65544 : i32
      %mul3A_227 = arith.muli %arg1, %mul3A_226 : i32
      %multiple_of3A_228 = tpu.assume_multiple %mul3A_227, 8 : i32
      %barrier3A = arith.constant 0 : index
      tpu.barrier barrier_id(%barrier3A)
      %scan3A_229 = arith.constant 0 : i32
      %scan3A_230 = arith.constant 0 : i32
      %scan3A_231 = arith.constant 8 : i32
      %scan3A_232 = arith.addi %scan3A_230, %scan3A_231 : i32
      %scan3A_233 = arith.constant 1 : i32
      scf.for %scan3A_298 = %scan3A_230 to %scan3A_232 step %scan3A_233  : i32 {
        %mul3A_299 = arith.constant 8192 : i32
        %mul3A_300 = arith.muli %scan3A_298, %mul3A_299 : i32
        %add3A_301 = arith.addi %multiple_of3A_228, %mul3A_300 : i32
        "tpu.region"() ({
          %run_scoped3A = tpu.sem_alloc : memref<!tpu.dma_semaphore, #tpu.memory_space<semaphore_mem>>
          %dma_start3A = tpu.memref_slice %arg13[%add3A_301] : memref<1048704xi32, #tpu.memory_space<vmem_shared>> -> memref<8192xi32, #tpu.memory_space<vmem_shared>>
          %dma_start3A_302 = tpu.memref_slice %arg13[%add3A_301] : memref<1048704xi32, #tpu.memory_space<vmem_shared>> -> memref<8192xi32, #tpu.memory_space<vmem_shared>>
          tpu.enqueue_dma source(%arg12 : memref<8192xi32, #tpu.memory_space<vmem>>) target(%dma_start3A_302 : memref<8192xi32, #tpu.memory_space<vmem_shared>>) target_semaphore(%run_scoped3A : memref<!tpu.dma_semaphore, #tpu.memory_space<semaphore_mem>>)
          %dma_wait3A = tpu.memref_slice %arg13[%add3A_301] : memref<1048704xi32, #tpu.memory_space<vmem_shared>> -> memref<8192xi32, #tpu.memory_space<vmem_shared>>
          %dma_wait3A_303 = tpu.memref_slice %arg13[%add3A_301] : memref<1048704xi32, #tpu.memory_space<vmem_shared>> -> memref<8192xi32, #tpu.memory_space<vmem_shared>>
          tpu.wait_dma2 semaphore(%run_scoped3A : memref<!tpu.dma_semaphore, #tpu.memory_space<semaphore_mem>>) src(%arg12 : memref<8192xi32, #tpu.memory_space<vmem>>) dst(%dma_wait3A_303 : memref<8192xi32, #tpu.memory_space<vmem_shared>>)
          tpu.yield
        }) : () -> ()
      }
      %scan3A_234 = arith.constant 8 : i32
      %add3A_235 = arith.constant 65536 : i32
      %add3A_236 = arith.addi %multiple_of3A_228, %add3A_235 : i32
      "tpu.region"() ({
        %run_scoped3A = tpu.sem_alloc : memref<!tpu.dma_semaphore, #tpu.memory_space<semaphore_mem>>
        %dma_start3A = arith.constant 0 : i32
        %dma_start3A_298 = tpu.memref_slice %arg12[%dma_start3A] : memref<8192xi32, #tpu.memory_space<vmem>> -> memref<8xi32, #tpu.memory_space<vmem>>
        %dma_start3A_299 = tpu.memref_slice %arg13[%add3A_236] : memref<1048704xi32, #tpu.memory_space<vmem_shared>> -> memref<8xi32, #tpu.memory_space<vmem_shared>>
        %dma_start3A_300 = tpu.memref_slice %arg13[%add3A_236] : memref<1048704xi32, #tpu.memory_space<vmem_shared>> -> memref<8xi32, #tpu.memory_space<vmem_shared>>
        %dma_start3A_301 = arith.constant 0 : i32
        %dma_start3A_302 = tpu.memref_slice %arg12[%dma_start3A_301] : memref<8192xi32, #tpu.memory_space<vmem>> -> memref<8xi32, #tpu.memory_space<vmem>>
        tpu.enqueue_dma source(%dma_start3A_302 : memref<8xi32, #tpu.memory_space<vmem>>) target(%dma_start3A_300 : memref<8xi32, #tpu.memory_space<vmem_shared>>) target_semaphore(%run_scoped3A : memref<!tpu.dma_semaphore, #tpu.memory_space<semaphore_mem>>)
        %dma_wait3A = arith.constant 0 : i32
        %dma_wait3A_303 = tpu.memref_slice %arg12[%dma_wait3A] : memref<8192xi32, #tpu.memory_space<vmem>> -> memref<8xi32, #tpu.memory_space<vmem>>
        %dma_wait3A_304 = tpu.memref_slice %arg13[%add3A_236] : memref<1048704xi32, #tpu.memory_space<vmem_shared>> -> memref<8xi32, #tpu.memory_space<vmem_shared>>
        %dma_wait3A_305 = tpu.memref_slice %arg13[%add3A_236] : memref<1048704xi32, #tpu.memory_space<vmem_shared>> -> memref<8xi32, #tpu.memory_space<vmem_shared>>
        %dma_wait3A_306 = arith.constant 0 : i32
        %dma_wait3A_307 = tpu.memref_slice %arg12[%dma_wait3A_306] : memref<8192xi32, #tpu.memory_space<vmem>> -> memref<8xi32, #tpu.memory_space<vmem>>
        tpu.wait_dma2 semaphore(%run_scoped3A : memref<!tpu.dma_semaphore, #tpu.memory_space<semaphore_mem>>) src(%dma_wait3A_307 : memref<8xi32, #tpu.memory_space<vmem>>) dst(%dma_wait3A_305 : memref<8xi32, #tpu.memory_space<vmem_shared>>)
        tpu.yield
      }) : () -> ()
      %scan3A_237 = arith.constant 0 : i32
      %scan3A_238 = arith.constant 0 : i32
      %scan3A_239 = arith.constant 49 : i32
      %scan3A_240 = arith.addi %scan3A_238, %scan3A_239 : i32
      %scan3A_241 = arith.constant 1 : i32
      scf.for %scan3A_298 = %scan3A_238 to %scan3A_240 step %scan3A_241  : i32 {
        %mul3A_299 = arith.constant 128 : i32
        %mul3A_300 = arith.muli %scan3A_298, %mul3A_299 : i32
        %add3A_301 = arith.constant 0 : i32
        %add3A_302 = arith.addi %mul3A_300, %add3A_301 : i32
        %get3A = arith.index_cast %add3A_302 : i32 to index
        %get3A_303 = tpu.vector_load %arg7[%get3A] {strides = array<i32>} : memref<6272xi32, #tpu.memory_space<vmem>>, vector<16xi32>,
        %get3A_304 = vector.shape_cast %get3A_303 : vector<16xi32> to vector<16xi32>
        %sub3A_305 = arith.constant 0 : i32
        %sub3A_306 = vector.broadcast %sub3A_305 : i32 to vector<16xi32>
        %sub3A_307 = arith.subi %get3A_304, %sub3A_306 : vector<16xi32>
        %add3A_308 = vector.broadcast %add3A_302 : i32 to vector<16xi32>
        %add3A_309 = arith.addi %add3A_308, %iota3A : vector<16xi32>
        %ge3A = arith.constant 0 : i32
        %ge3A_310 = vector.broadcast %ge3A : i32 to vector<16xi32>
        %ge3A_311 = arith.cmpi sge, %sub3A_307, %ge3A_310 : vector<16xi32>
        %lt3A_312 = arith.constant 1048576 : i32
        %lt3A_313 = vector.broadcast %lt3A_312 : i32 to vector<16xi32>
        %lt3A_314 = arith.cmpi slt, %sub3A_307, %lt3A_313 : vector<16xi32>
        %and3A = arith.andi %ge3A_311, %lt3A_314 : vector<16xi1>
        %lt3A_315 = vector.broadcast %sub3A_225 : i32 to vector<16xi32>
        %lt3A_316 = arith.cmpi slt, %add3A_309, %lt3A_315 : vector<16xi32>
        %and3A_317 = arith.andi %and3A, %lt3A_316 : vector<16xi1>
        %and3A_318 = arith.constant 127 : i32
        %and3A_319 = vector.broadcast %and3A_318 : i32 to vector<16xi32>
        %and3A_320 = arith.andi %add3A_309, %and3A_319 : vector<16xi32>
        %add3A_321 = arith.constant 1048576 : i32
        %add3A_322 = vector.broadcast %add3A_321 : i32 to vector<16xi32>
        %add3A_323 = arith.addi %add3A_322, %and3A_320 : vector<16xi32>
        %select_n3A = arith.select %and3A_317, %sub3A_307, %add3A_323 : vector<16xi1>, vector<16xi32>
        %swap3A_324 = arith.index_cast %scan3A_298 : i32 to index
        %swap3A_325 = arith.constant 0 : index
        %swap3A_326 = tpu.vector_load %arg8[%swap3A_324, %swap3A_325] {strides = array<i32>} : memref<49x128xi32, #tpu.memory_space<vmem>>, vector<1x16xi32>,
        %swap3A_327 = vector.shape_cast %swap3A_326 : vector<1x16xi32> to vector<16xi32>
        %swap3A_328 = vector.shape_cast %select_n3A : vector<16xi32> to vector<1x16xi32>
        tpu.vector_store %arg8[%swap3A_324, %swap3A_325], %swap3A_328 {strides = array<i32>} : memref<49x128xi32, #tpu.memory_space<vmem>>, vector<1x16xi32>,
        %mul3A_329 = arith.constant 128 : i32
        %mul3A_330 = arith.muli %scan3A_298, %mul3A_329 : i32
        %add3A_331 = arith.constant 16 : i32
        %add3A_332 = arith.addi %mul3A_330, %add3A_331 : i32
        %get3A_333 = arith.index_cast %add3A_332 : i32 to index
        %get3A_334 = tpu.vector_load %arg7[%get3A_333] {strides = array<i32>} : memref<6272xi32, #tpu.memory_space<vmem>>, vector<16xi32>,
        %get3A_335 = vector.shape_cast %get3A_334 : vector<16xi32> to vector<16xi32>
        %sub3A_336 = arith.constant 0 : i32
        %sub3A_337 = vector.broadcast %sub3A_336 : i32 to vector<16xi32>
        %sub3A_338 = arith.subi %get3A_335, %sub3A_337 : vector<16xi32>
        %add3A_339 = vector.broadcast %add3A_332 : i32 to vector<16xi32>
        %add3A_340 = arith.addi %add3A_339, %iota3A : vector<16xi32>
        %ge3A_341 = arith.constant 0 : i32
        %ge3A_342 = vector.broadcast %ge3A_341 : i32 to vector<16xi32>
        %ge3A_343 = arith.cmpi sge, %sub3A_338, %ge3A_342 : vector<16xi32>
        %lt3A_344 = arith.constant 1048576 : i32
        %lt3A_345 = vector.broadcast %lt3A_344 : i32 to vector<16xi32>
        %lt3A_346 = arith.cmpi slt, %sub3A_338, %lt3A_345 : vector<16xi32>
        %and3A_347 = arith.andi %ge3A_343, %lt3A_346 : vector<16xi1>
        %lt3A_348 = vector.broadcast %sub3A_225 : i32 to vector<16xi32>
        %lt3A_349 = arith.cmpi slt, %add3A_340, %lt3A_348 : vector<16xi32>
        %and3A_350 = arith.andi %and3A_347, %lt3A_349 : vector<16xi1>
        %and3A_351 = arith.constant 127 : i32
        %and3A_352 = vector.broadcast %and3A_351 : i32 to vector<16xi32>
        %and3A_353 = arith.andi %add3A_340, %and3A_352 : vector<16xi32>
        %add3A_354 = arith.constant 1048576 : i32
        %add3A_355 = vector.broadcast %add3A_354 : i32 to vector<16xi32>
        %add3A_356 = arith.addi %add3A_355, %and3A_353 : vector<16xi32>
        %select_n3A_357 = arith.select %and3A_350, %sub3A_338, %add3A_356 : vector<16xi1>, vector<16xi32>
        %swap3A_358 = arith.index_cast %scan3A_298 : i32 to index
        %swap3A_359 = arith.constant 16 : index
        %swap3A_360 = tpu.vector_load %arg8[%swap3A_358, %swap3A_359] {strides = array<i32>} : memref<49x128xi32, #tpu.memory_space<vmem>>, vector<1x16xi32>,
        %swap3A_361 = vector.shape_cast %swap3A_360 : vector<1x16xi32> to vector<16xi32>
        %swap3A_362 = vector.shape_cast %select_n3A_357 : vector<16xi32> to vector<1x16xi32>
        tpu.vector_store %arg8[%swap3A_358, %swap3A_359], %swap3A_362 {strides = array<i32>} : memref<49x128xi32, #tpu.memory_space<vmem>>, vector<1x16xi32>,
        %mul3A_363 = arith.constant 128 : i32
        %mul3A_364 = arith.muli %scan3A_298, %mul3A_363 : i32
        %add3A_365 = arith.constant 32 : i32
        %add3A_366 = arith.addi %mul3A_364, %add3A_365 : i32
        %get3A_367 = arith.index_cast %add3A_366 : i32 to index
        %get3A_368 = tpu.vector_load %arg7[%get3A_367] {strides = array<i32>} : memref<6272xi32, #tpu.memory_space<vmem>>, vector<16xi32>,
        %get3A_369 = vector.shape_cast %get3A_368 : vector<16xi32> to vector<16xi32>
        %sub3A_370 = arith.constant 0 : i32
        %sub3A_371 = vector.broadcast %sub3A_370 : i32 to vector<16xi32>
        %sub3A_372 = arith.subi %get3A_369, %sub3A_371 : vector<16xi32>
        %add3A_373 = vector.broadcast %add3A_366 : i32 to vector<16xi32>
        %add3A_374 = arith.addi %add3A_373, %iota3A : vector<16xi32>
        %ge3A_375 = arith.constant 0 : i32
        %ge3A_376 = vector.broadcast %ge3A_375 : i32 to vector<16xi32>
        %ge3A_377 = arith.cmpi sge, %sub3A_372, %ge3A_376 : vector<16xi32>
        %lt3A_378 = arith.constant 1048576 : i32
        %lt3A_379 = vector.broadcast %lt3A_378 : i32 to vector<16xi32>
        %lt3A_380 = arith.cmpi slt, %sub3A_372, %lt3A_379 : vector<16xi32>
        %and3A_381 = arith.andi %ge3A_377, %lt3A_380 : vector<16xi1>
        %lt3A_382 = vector.broadcast %sub3A_225 : i32 to vector<16xi32>
        %lt3A_383 = arith.cmpi slt, %add3A_374, %lt3A_382 : vector<16xi32>
        %and3A_384 = arith.andi %and3A_381, %lt3A_383 : vector<16xi1>
        %and3A_385 = arith.constant 127 : i32
        %and3A_386 = vector.broadcast %and3A_385 : i32 to vector<16xi32>
        %and3A_387 = arith.andi %add3A_374, %and3A_386 : vector<16xi32>
        %add3A_388 = arith.constant 1048576 : i32
        %add3A_389 = vector.broadcast %add3A_388 : i32 to vector<16xi32>
        %add3A_390 = arith.addi %add3A_389, %and3A_387 : vector<16xi32>
        %select_n3A_391 = arith.select %and3A_384, %sub3A_372, %add3A_390 : vector<16xi1>, vector<16xi32>
        %swap3A_392 = arith.index_cast %scan3A_298 : i32 to index
        %swap3A_393 = arith.constant 32 : index
        %swap3A_394 = tpu.vector_load %arg8[%swap3A_392, %swap3A_393] {strides = array<i32>} : memref<49x128xi32, #tpu.memory_space<vmem>>, vector<1x16xi32>,
        %swap3A_395 = vector.shape_cast %swap3A_394 : vector<1x16xi32> to vector<16xi32>
        %swap3A_396 = vector.shape_cast %select_n3A_391 : vector<16xi32> to vector<1x16xi32>
        tpu.vector_store %arg8[%swap3A_392, %swap3A_393], %swap3A_396 {strides = array<i32>} : memref<49x128xi32, #tpu.memory_space<vmem>>, vector<1x16xi32>,
        %mul3A_397 = arith.constant 128 : i32
        %mul3A_398 = arith.muli %scan3A_298, %mul3A_397 : i32
        %add3A_399 = arith.constant 48 : i32
        %add3A_400 = arith.addi %mul3A_398, %add3A_399 : i32
        %get3A_401 = arith.index_cast %add3A_400 : i32 to index
        %get3A_402 = tpu.vector_load %arg7[%get3A_401] {strides = array<i32>} : memref<6272xi32, #tpu.memory_space<vmem>>, vector<16xi32>,
        %get3A_403 = vector.shape_cast %get3A_402 : vector<16xi32> to vector<16xi32>
        %sub3A_404 = arith.constant 0 : i32
        %sub3A_405 = vector.broadcast %sub3A_404 : i32 to vector<16xi32>
        %sub3A_406 = arith.subi %get3A_403, %sub3A_405 : vector<16xi32>
        %add3A_407 = vector.broadcast %add3A_400 : i32 to vector<16xi32>
        %add3A_408 = arith.addi %add3A_407, %iota3A : vector<16xi32>
        %ge3A_409 = arith.constant 0 : i32
        %ge3A_410 = vector.broadcast %ge3A_409 : i32 to vector<16xi32>
        %ge3A_411 = arith.cmpi sge, %sub3A_406, %ge3A_410 : vector<16xi32>
        %lt3A_412 = arith.constant 1048576 : i32
        %lt3A_413 = vector.broadcast %lt3A_412 : i32 to vector<16xi32>
        %lt3A_414 = arith.cmpi slt, %sub3A_406, %lt3A_413 : vector<16xi32>
        %and3A_415 = arith.andi %ge3A_411, %lt3A_414 : vector<16xi1>
        %lt3A_416 = vector.broadcast %sub3A_225 : i32 to vector<16xi32>
        %lt3A_417 = arith.cmpi slt, %add3A_408, %lt3A_416 : vector<16xi32>
        %and3A_418 = arith.andi %and3A_415, %lt3A_417 : vector<16xi1>
        %and3A_419 = arith.constant 127 : i32
        %and3A_420 = vector.broadcast %and3A_419 : i32 to vector<16xi32>
        %and3A_421 = arith.andi %add3A_408, %and3A_420 : vector<16xi32>
        %add3A_422 = arith.constant 1048576 : i32
        %add3A_423 = vector.broadcast %add3A_422 : i32 to vector<16xi32>
        %add3A_424 = arith.addi %add3A_423, %and3A_421 : vector<16xi32>
        %select_n3A_425 = arith.select %and3A_418, %sub3A_406, %add3A_424 : vector<16xi1>, vector<16xi32>
        %swap3A_426 = arith.index_cast %scan3A_298 : i32 to index
        %swap3A_427 = arith.constant 48 : index
        %swap3A_428 = tpu.vector_load %arg8[%swap3A_426, %swap3A_427] {strides = array<i32>} : memref<49x128xi32, #tpu.memory_space<vmem>>, vector<1x16xi32>,
        %swap3A_429 = vector.shape_cast %swap3A_428 : vector<1x16xi32> to vector<16xi32>
        %swap3A_430 = vector.shape_cast %select_n3A_425 : vector<16xi32> to vector<1x16xi32>
        tpu.vector_store %arg8[%swap3A_426, %swap3A_427], %swap3A_430 {strides = array<i32>} : memref<49x128xi32, #tpu.memory_space<vmem>>, vector<1x16xi32>,
        %mul3A_431 = arith.constant 128 : i32
        %mul3A_432 = arith.muli %scan3A_298, %mul3A_431 : i32
        %add3A_433 = arith.constant 64 : i32
        %add3A_434 = arith.addi %mul3A_432, %add3A_433 : i32
        %get3A_435 = arith.index_cast %add3A_434 : i32 to index
        %get3A_436 = tpu.vector_load %arg7[%get3A_435] {strides = array<i32>} : memref<6272xi32, #tpu.memory_space<vmem>>, vector<16xi32>,
        %get3A_437 = vector.shape_cast %get3A_436 : vector<16xi32> to vector<16xi32>
        %sub3A_438 = arith.constant 0 : i32
        %sub3A_439 = vector.broadcast %sub3A_438 : i32 to vector<16xi32>
        %sub3A_440 = arith.subi %get3A_437, %sub3A_439 : vector<16xi32>
        %add3A_441 = vector.broadcast %add3A_434 : i32 to vector<16xi32>
        %add3A_442 = arith.addi %add3A_441, %iota3A : vector<16xi32>
        %ge3A_443 = arith.constant 0 : i32
        %ge3A_444 = vector.broadcast %ge3A_443 : i32 to vector<16xi32>
        %ge3A_445 = arith.cmpi sge, %sub3A_440, %ge3A_444 : vector<16xi32>
        %lt3A_446 = arith.constant 1048576 : i32
        %lt3A_447 = vector.broadcast %lt3A_446 : i32 to vector<16xi32>
        %lt3A_448 = arith.cmpi slt, %sub3A_440, %lt3A_447 : vector<16xi32>
        %and3A_449 = arith.andi %ge3A_445, %lt3A_448 : vector<16xi1>
        %lt3A_450 = vector.broadcast %sub3A_225 : i32 to vector<16xi32>
        %lt3A_451 = arith.cmpi slt, %add3A_442, %lt3A_450 : vector<16xi32>
        %and3A_452 = arith.andi %and3A_449, %lt3A_451 : vector<16xi1>
        %and3A_453 = arith.constant 127 : i32
        %and3A_454 = vector.broadcast %and3A_453 : i32 to vector<16xi32>
        %and3A_455 = arith.andi %add3A_442, %and3A_454 : vector<16xi32>
        %add3A_456 = arith.constant 1048576 : i32
        %add3A_457 = vector.broadcast %add3A_456 : i32 to vector<16xi32>
        %add3A_458 = arith.addi %add3A_457, %and3A_455 : vector<16xi32>
        %select_n3A_459 = arith.select %and3A_452, %sub3A_440, %add3A_458 : vector<16xi1>, vector<16xi32>
        %swap3A_460 = arith.index_cast %scan3A_298 : i32 to index
        %swap3A_461 = arith.constant 64 : index
        %swap3A_462 = tpu.vector_load %arg8[%swap3A_460, %swap3A_461] {strides = array<i32>} : memref<49x128xi32, #tpu.memory_space<vmem>>, vector<1x16xi32>,
        %swap3A_463 = vector.shape_cast %swap3A_462 : vector<1x16xi32> to vector<16xi32>
        %swap3A_464 = vector.shape_cast %select_n3A_459 : vector<16xi32> to vector<1x16xi32>
        tpu.vector_store %arg8[%swap3A_460, %swap3A_461], %swap3A_464 {strides = array<i32>} : memref<49x128xi32, #tpu.memory_space<vmem>>, vector<1x16xi32>,
        %mul3A_465 = arith.constant 128 : i32
        %mul3A_466 = arith.muli %scan3A_298, %mul3A_465 : i32
        %add3A_467 = arith.constant 80 : i32
        %add3A_468 = arith.addi %mul3A_466, %add3A_467 : i32
        %get3A_469 = arith.index_cast %add3A_468 : i32 to index
        %get3A_470 = tpu.vector_load %arg7[%get3A_469] {strides = array<i32>} : memref<6272xi32, #tpu.memory_space<vmem>>, vector<16xi32>,
        %get3A_471 = vector.shape_cast %get3A_470 : vector<16xi32> to vector<16xi32>
        %sub3A_472 = arith.constant 0 : i32
        %sub3A_473 = vector.broadcast %sub3A_472 : i32 to vector<16xi32>
        %sub3A_474 = arith.subi %get3A_471, %sub3A_473 : vector<16xi32>
        %add3A_475 = vector.broadcast %add3A_468 : i32 to vector<16xi32>
        %add3A_476 = arith.addi %add3A_475, %iota3A : vector<16xi32>
        %ge3A_477 = arith.constant 0 : i32
        %ge3A_478 = vector.broadcast %ge3A_477 : i32 to vector<16xi32>
        %ge3A_479 = arith.cmpi sge, %sub3A_474, %ge3A_478 : vector<16xi32>
        %lt3A_480 = arith.constant 1048576 : i32
        %lt3A_481 = vector.broadcast %lt3A_480 : i32 to vector<16xi32>
        %lt3A_482 = arith.cmpi slt, %sub3A_474, %lt3A_481 : vector<16xi32>
        %and3A_483 = arith.andi %ge3A_479, %lt3A_482 : vector<16xi1>
        %lt3A_484 = vector.broadcast %sub3A_225 : i32 to vector<16xi32>
        %lt3A_485 = arith.cmpi slt, %add3A_476, %lt3A_484 : vector<16xi32>
        %and3A_486 = arith.andi %and3A_483, %lt3A_485 : vector<16xi1>
        %and3A_487 = arith.constant 127 : i32
        %and3A_488 = vector.broadcast %and3A_487 : i32 to vector<16xi32>
        %and3A_489 = arith.andi %add3A_476, %and3A_488 : vector<16xi32>
        %add3A_490 = arith.constant 1048576 : i32
        %add3A_491 = vector.broadcast %add3A_490 : i32 to vector<16xi32>
        %add3A_492 = arith.addi %add3A_491, %and3A_489 : vector<16xi32>
        %select_n3A_493 = arith.select %and3A_486, %sub3A_474, %add3A_492 : vector<16xi1>, vector<16xi32>
        %swap3A_494 = arith.index_cast %scan3A_298 : i32 to index
        %swap3A_495 = arith.constant 80 : index
        %swap3A_496 = tpu.vector_load %arg8[%swap3A_494, %swap3A_495] {strides = array<i32>} : memref<49x128xi32, #tpu.memory_space<vmem>>, vector<1x16xi32>,
        %swap3A_497 = vector.shape_cast %swap3A_496 : vector<1x16xi32> to vector<16xi32>
        %swap3A_498 = vector.shape_cast %select_n3A_493 : vector<16xi32> to vector<1x16xi32>
        tpu.vector_store %arg8[%swap3A_494, %swap3A_495], %swap3A_498 {strides = array<i32>} : memref<49x128xi32, #tpu.memory_space<vmem>>, vector<1x16xi32>,
        %mul3A_499 = arith.constant 128 : i32
        %mul3A_500 = arith.muli %scan3A_298, %mul3A_499 : i32
        %add3A_501 = arith.constant 96 : i32
        %add3A_502 = arith.addi %mul3A_500, %add3A_501 : i32
        %get3A_503 = arith.index_cast %add3A_502 : i32 to index
        %get3A_504 = tpu.vector_load %arg7[%get3A_503] {strides = array<i32>} : memref<6272xi32, #tpu.memory_space<vmem>>, vector<16xi32>,
        %get3A_505 = vector.shape_cast %get3A_504 : vector<16xi32> to vector<16xi32>
        %sub3A_506 = arith.constant 0 : i32
        %sub3A_507 = vector.broadcast %sub3A_506 : i32 to vector<16xi32>
        %sub3A_508 = arith.subi %get3A_505, %sub3A_507 : vector<16xi32>
        %add3A_509 = vector.broadcast %add3A_502 : i32 to vector<16xi32>
        %add3A_510 = arith.addi %add3A_509, %iota3A : vector<16xi32>
        %ge3A_511 = arith.constant 0 : i32
        %ge3A_512 = vector.broadcast %ge3A_511 : i32 to vector<16xi32>
        %ge3A_513 = arith.cmpi sge, %sub3A_508, %ge3A_512 : vector<16xi32>
        %lt3A_514 = arith.constant 1048576 : i32
        %lt3A_515 = vector.broadcast %lt3A_514 : i32 to vector<16xi32>
        %lt3A_516 = arith.cmpi slt, %sub3A_508, %lt3A_515 : vector<16xi32>
        %and3A_517 = arith.andi %ge3A_513, %lt3A_516 : vector<16xi1>
        %lt3A_518 = vector.broadcast %sub3A_225 : i32 to vector<16xi32>
        %lt3A_519 = arith.cmpi slt, %add3A_510, %lt3A_518 : vector<16xi32>
        %and3A_520 = arith.andi %and3A_517, %lt3A_519 : vector<16xi1>
        %and3A_521 = arith.constant 127 : i32
        %and3A_522 = vector.broadcast %and3A_521 : i32 to vector<16xi32>
        %and3A_523 = arith.andi %add3A_510, %and3A_522 : vector<16xi32>
        %add3A_524 = arith.constant 1048576 : i32
        %add3A_525 = vector.broadcast %add3A_524 : i32 to vector<16xi32>
        %add3A_526 = arith.addi %add3A_525, %and3A_523 : vector<16xi32>
        %select_n3A_527 = arith.select %and3A_520, %sub3A_508, %add3A_526 : vector<16xi1>, vector<16xi32>
        %swap3A_528 = arith.index_cast %scan3A_298 : i32 to index
        %swap3A_529 = arith.constant 96 : index
        %swap3A_530 = tpu.vector_load %arg8[%swap3A_528, %swap3A_529] {strides = array<i32>} : memref<49x128xi32, #tpu.memory_space<vmem>>, vector<1x16xi32>,
        %swap3A_531 = vector.shape_cast %swap3A_530 : vector<1x16xi32> to vector<16xi32>
        %swap3A_532 = vector.shape_cast %select_n3A_527 : vector<16xi32> to vector<1x16xi32>
        tpu.vector_store %arg8[%swap3A_528, %swap3A_529], %swap3A_532 {strides = array<i32>} : memref<49x128xi32, #tpu.memory_space<vmem>>, vector<1x16xi32>,
        %mul3A_533 = arith.constant 128 : i32
        %mul3A_534 = arith.muli %scan3A_298, %mul3A_533 : i32
        %add3A_535 = arith.constant 112 : i32
        %add3A_536 = arith.addi %mul3A_534, %add3A_535 : i32
        %get3A_537 = arith.index_cast %add3A_536 : i32 to index
        %get3A_538 = tpu.vector_load %arg7[%get3A_537] {strides = array<i32>} : memref<6272xi32, #tpu.memory_space<vmem>>, vector<16xi32>,
        %get3A_539 = vector.shape_cast %get3A_538 : vector<16xi32> to vector<16xi32>
        %sub3A_540 = arith.constant 0 : i32
        %sub3A_541 = vector.broadcast %sub3A_540 : i32 to vector<16xi32>
        %sub3A_542 = arith.subi %get3A_539, %sub3A_541 : vector<16xi32>
        %add3A_543 = vector.broadcast %add3A_536 : i32 to vector<16xi32>
        %add3A_544 = arith.addi %add3A_543, %iota3A : vector<16xi32>
        %ge3A_545 = arith.constant 0 : i32
        %ge3A_546 = vector.broadcast %ge3A_545 : i32 to vector<16xi32>
        %ge3A_547 = arith.cmpi sge, %sub3A_542, %ge3A_546 : vector<16xi32>
        %lt3A_548 = arith.constant 1048576 : i32
        %lt3A_549 = vector.broadcast %lt3A_548 : i32 to vector<16xi32>
        %lt3A_550 = arith.cmpi slt, %sub3A_542, %lt3A_549 : vector<16xi32>
        %and3A_551 = arith.andi %ge3A_547, %lt3A_550 : vector<16xi1>
        %lt3A_552 = vector.broadcast %sub3A_225 : i32 to vector<16xi32>
        %lt3A_553 = arith.cmpi slt, %add3A_544, %lt3A_552 : vector<16xi32>
        %and3A_554 = arith.andi %and3A_551, %lt3A_553 : vector<16xi1>
        %and3A_555 = arith.constant 127 : i32
        %and3A_556 = vector.broadcast %and3A_555 : i32 to vector<16xi32>
        %and3A_557 = arith.andi %add3A_544, %and3A_556 : vector<16xi32>
        %add3A_558 = arith.constant 1048576 : i32
        %add3A_559 = vector.broadcast %add3A_558 : i32 to vector<16xi32>
        %add3A_560 = arith.addi %add3A_559, %and3A_557 : vector<16xi32>
        %select_n3A_561 = arith.select %and3A_554, %sub3A_542, %add3A_560 : vector<16xi1>, vector<16xi32>
        %swap3A_562 = arith.index_cast %scan3A_298 : i32 to index
        %swap3A_563 = arith.constant 112 : index
        %swap3A_564 = tpu.vector_load %arg8[%swap3A_562, %swap3A_563] {strides = array<i32>} : memref<49x128xi32, #tpu.memory_space<vmem>>, vector<1x16xi32>,
        %swap3A_565 = vector.shape_cast %swap3A_564 : vector<1x16xi32> to vector<16xi32>
        %swap3A_566 = vector.shape_cast %select_n3A_561 : vector<16xi32> to vector<1x16xi32>
        tpu.vector_store %arg8[%swap3A_562, %swap3A_563], %swap3A_566 {strides = array<i32>} : memref<49x128xi32, #tpu.memory_space<vmem>>, vector<1x16xi32>,
      }
      %scan3A_242 = arith.constant 49 : i32
      %barrier3A_243 = arith.constant 0 : index
      tpu.barrier barrier_id(%barrier3A_243)
      %scan3A_244 = arith.constant 0 : i32
      %scan3A_245 = arith.constant 0 : i32
      %scan3A_246 = arith.constant 49 : i32
      %scan3A_247 = arith.addi %scan3A_245, %scan3A_246 : i32
      %scan3A_248 = arith.constant 1 : i32
      scf.for %scan3A_298 = %scan3A_245 to %scan3A_247 step %scan3A_248  : i32 {
        "tpu.region"() ({
          %run_scoped3A = tpu.sem_alloc : memref<!tpu.dma_semaphore, #tpu.memory_space<semaphore_mem>>
          %dma_start3A = arith.constant 0 : i32
          %dma_start3A_299 = tpu.memref_slice %arg8[%scan3A_298, %dma_start3A] : memref<49x128xi32, #tpu.memory_space<vmem>> -> memref<1x128xi32, #tpu.memory_space<vmem>>
          %dma_start3A_300 = tpu.memref_squeeze %dma_start3A_299 : memref<1x128xi32, #tpu.memory_space<vmem>> -> memref<128xi32, #tpu.memory_space<vmem>>
          %dma_start3A_301 = arith.constant 0 : i32
          %dma_start3A_302 = tpu.memref_slice %arg13[%dma_start3A_301] : memref<1048704xi32, #tpu.memory_space<vmem_shared>> -> memref<1048704xi32, #tpu.memory_space<vmem_shared>>
          tpu.enqueue_indirect_dma source(%arg11 : memref<128xi32, #tpu.memory_space<vmem>>) target(%dma_start3A_302 : memref<1048704xi32, #tpu.memory_space<vmem_shared>>) offsets(%dma_start3A_300 : memref<128xi32, #tpu.memory_space<vmem>>) semaphore(%run_scoped3A : memref<!tpu.dma_semaphore, #tpu.memory_space<semaphore_mem>>) {add = true}
          %dma_wait3A = arith.constant 0 : i32
          %dma_wait3A_303 = tpu.memref_slice %arg8[%scan3A_298, %dma_wait3A] : memref<49x128xi32, #tpu.memory_space<vmem>> -> memref<1x128xi32, #tpu.memory_space<vmem>>
          %dma_wait3A_304 = tpu.memref_squeeze %dma_wait3A_303 : memref<1x128xi32, #tpu.memory_space<vmem>> -> memref<128xi32, #tpu.memory_space<vmem>>
          %dma_wait3A_305 = arith.constant 0 : i32
          %dma_wait3A_306 = tpu.memref_slice %arg13[%dma_wait3A_305] : memref<1048704xi32, #tpu.memory_space<vmem_shared>> -> memref<1048704xi32, #tpu.memory_space<vmem_shared>>
          tpu.wait_indirect_dma semaphore(%run_scoped3A : memref<!tpu.dma_semaphore, #tpu.memory_space<semaphore_mem>>) src(%arg11 : memref<128xi32, #tpu.memory_space<vmem>>) dst(%dma_wait3A_306 : memref<1048704xi32, #tpu.memory_space<vmem_shared>>)
          tpu.yield
        }) : () -> ()
      }
      %scan3A_249 = arith.constant 49 : i32
      %barrier3A_250 = arith.constant 0 : index
      tpu.barrier barrier_id(%barrier3A_250)
      %scan3A_251 = arith.constant 0 : i32
      %scan3A_252 = arith.constant 0 : i32
      %scan3A_253 = arith.constant 49 : i32
      %scan3A_254 = arith.addi %scan3A_252, %scan3A_253 : i32
      %scan3A_255 = arith.constant 1 : i32
      scf.for %scan3A_298 = %scan3A_252 to %scan3A_254 step %scan3A_255  : i32 {
        "tpu.region"() ({
          %run_scoped3A = tpu.sem_alloc : memref<!tpu.dma_semaphore, #tpu.memory_space<semaphore_mem>>
          %dma_start3A = arith.constant 0 : i32
          %dma_start3A_299 = tpu.memref_slice %arg9[%scan3A_298, %dma_start3A] : memref<49x128xi32, #tpu.memory_space<vmem>> -> memref<1x128xi32, #tpu.memory_space<vmem>>
          %dma_start3A_300 = tpu.memref_squeeze %dma_start3A_299 : memref<1x128xi32, #tpu.memory_space<vmem>> -> memref<128xi32, #tpu.memory_space<vmem>>
          %dma_start3A_301 = arith.constant 0 : i32
          %dma_start3A_302 = tpu.memref_slice %arg8[%scan3A_298, %dma_start3A_301] : memref<49x128xi32, #tpu.memory_space<vmem>> -> memref<1x128xi32, #tpu.memory_space<vmem>>
          %dma_start3A_303 = tpu.memref_squeeze %dma_start3A_302 : memref<1x128xi32, #tpu.memory_space<vmem>> -> memref<128xi32, #tpu.memory_space<vmem>>
          %dma_start3A_304 = arith.constant 0 : i32
          %dma_start3A_305 = tpu.memref_slice %arg13[%dma_start3A_304] : memref<1048704xi32, #tpu.memory_space<vmem_shared>> -> memref<1048704xi32, #tpu.memory_space<vmem_shared>>
          tpu.enqueue_indirect_dma source(%dma_start3A_305 : memref<1048704xi32, #tpu.memory_space<vmem_shared>>) target(%dma_start3A_300 : memref<128xi32, #tpu.memory_space<vmem>>) offsets(%dma_start3A_303 : memref<128xi32, #tpu.memory_space<vmem>>) semaphore(%run_scoped3A : memref<!tpu.dma_semaphore, #tpu.memory_space<semaphore_mem>>)
          %dma_wait3A = arith.constant 0 : i32
          %dma_wait3A_306 = tpu.memref_slice %arg9[%scan3A_298, %dma_wait3A] : memref<49x128xi32, #tpu.memory_space<vmem>> -> memref<1x128xi32, #tpu.memory_space<vmem>>
          %dma_wait3A_307 = tpu.memref_squeeze %dma_wait3A_306 : memref<1x128xi32, #tpu.memory_space<vmem>> -> memref<128xi32, #tpu.memory_space<vmem>>
          %dma_wait3A_308 = arith.constant 0 : i32
          %dma_wait3A_309 = tpu.memref_slice %arg8[%scan3A_298, %dma_wait3A_308] : memref<49x128xi32, #tpu.memory_space<vmem>> -> memref<1x128xi32, #tpu.memory_space<vmem>>
          %dma_wait3A_310 = tpu.memref_squeeze %dma_wait3A_309 : memref<1x128xi32, #tpu.memory_space<vmem>> -> memref<128xi32, #tpu.memory_space<vmem>>
          %dma_wait3A_311 = arith.constant 0 : i32
          %dma_wait3A_312 = tpu.memref_slice %arg13[%dma_wait3A_311] : memref<1048704xi32, #tpu.memory_space<vmem_shared>> -> memref<1048704xi32, #tpu.memory_space<vmem_shared>>
          tpu.wait_indirect_dma semaphore(%run_scoped3A : memref<!tpu.dma_semaphore, #tpu.memory_space<semaphore_mem>>) src(%dma_wait3A_312 : memref<1048704xi32, #tpu.memory_space<vmem_shared>>) dst(%dma_wait3A_307 : memref<128xi32, #tpu.memory_space<vmem>>)
          tpu.yield
        }) : () -> ()
      }
      %scan3A_256 = arith.constant 49 : i32
      %barrier3A_257 = arith.constant 0 : index
      tpu.barrier barrier_id(%barrier3A_257)
      %scan3A_258 = arith.constant 0 : i32
      %scan3A_259 = arith.constant 0 : i32
      %scan3A_260 = arith.constant 8 : i32
      %scan3A_261 = arith.addi %scan3A_259, %scan3A_260 : i32
      %scan3A_262 = arith.constant 1 : i32
      scf.for %scan3A_298 = %scan3A_259 to %scan3A_261 step %scan3A_262  : i32 {
        %mul3A_299 = arith.constant 8192 : i32
        %mul3A_300 = arith.muli %scan3A_298, %mul3A_299 : i32
        %add3A_301 = arith.addi %multiple_of3A_228, %mul3A_300 : i32
        "tpu.region"() ({
          %run_scoped3A = tpu.sem_alloc : memref<!tpu.dma_semaphore, #tpu.memory_space<semaphore_mem>>
          %dma_start3A = tpu.memref_slice %arg13[%add3A_301] : memref<1048704xi32, #tpu.memory_space<vmem_shared>> -> memref<8192xi32, #tpu.memory_space<vmem_shared>>
          %dma_start3A_302 = tpu.memref_slice %arg13[%add3A_301] : memref<1048704xi32, #tpu.memory_space<vmem_shared>> -> memref<8192xi32, #tpu.memory_space<vmem_shared>>
          tpu.enqueue_dma source(%arg12 : memref<8192xi32, #tpu.memory_space<vmem>>) target(%dma_start3A_302 : memref<8192xi32, #tpu.memory_space<vmem_shared>>) target_semaphore(%run_scoped3A : memref<!tpu.dma_semaphore, #tpu.memory_space<semaphore_mem>>)
          %dma_wait3A = tpu.memref_slice %arg13[%add3A_301] : memref<1048704xi32, #tpu.memory_space<vmem_shared>> -> memref<8192xi32, #tpu.memory_space<vmem_shared>>
          %dma_wait3A_303 = tpu.memref_slice %arg13[%add3A_301] : memref<1048704xi32, #tpu.memory_space<vmem_shared>> -> memref<8192xi32, #tpu.memory_space<vmem_shared>>
          tpu.wait_dma2 semaphore(%run_scoped3A : memref<!tpu.dma_semaphore, #tpu.memory_space<semaphore_mem>>) src(%arg12 : memref<8192xi32, #tpu.memory_space<vmem>>) dst(%dma_wait3A_303 : memref<8192xi32, #tpu.memory_space<vmem_shared>>)
          tpu.yield
        }) : () -> ()
      }
      %scan3A_263 = arith.constant 8 : i32
      %add3A_264 = arith.constant 65536 : i32
      %add3A_265 = arith.addi %multiple_of3A_228, %add3A_264 : i32
      "tpu.region"() ({
        %run_scoped3A = tpu.sem_alloc : memref<!tpu.dma_semaphore, #tpu.memory_space<semaphore_mem>>
        %dma_start3A = arith.constant 0 : i32
        %dma_start3A_298 = tpu.memref_slice %arg12[%dma_start3A] : memref<8192xi32, #tpu.memory_space<vmem>> -> memref<8xi32, #tpu.memory_space<vmem>>
        %dma_start3A_299 = tpu.memref_slice %arg13[%add3A_265] : memref<1048704xi32, #tpu.memory_space<vmem_shared>> -> memref<8xi32, #tpu.memory_space<vmem_shared>>
        %dma_start3A_300 = tpu.memref_slice %arg13[%add3A_265] : memref<1048704xi32, #tpu.memory_space<vmem_shared>> -> memref<8xi32, #tpu.memory_space<vmem_shared>>
        %dma_start3A_301 = arith.constant 0 : i32
        %dma_start3A_302 = tpu.memref_slice %arg12[%dma_start3A_301] : memref<8192xi32, #tpu.memory_space<vmem>> -> memref<8xi32, #tpu.memory_space<vmem>>
        tpu.enqueue_dma source(%dma_start3A_302 : memref<8xi32, #tpu.memory_space<vmem>>) target(%dma_start3A_300 : memref<8xi32, #tpu.memory_space<vmem_shared>>) target_semaphore(%run_scoped3A : memref<!tpu.dma_semaphore, #tpu.memory_space<semaphore_mem>>)
        %dma_wait3A = arith.constant 0 : i32
        %dma_wait3A_303 = tpu.memref_slice %arg12[%dma_wait3A] : memref<8192xi32, #tpu.memory_space<vmem>> -> memref<8xi32, #tpu.memory_space<vmem>>
        %dma_wait3A_304 = tpu.memref_slice %arg13[%add3A_265] : memref<1048704xi32, #tpu.memory_space<vmem_shared>> -> memref<8xi32, #tpu.memory_space<vmem_shared>>
        %dma_wait3A_305 = tpu.memref_slice %arg13[%add3A_265] : memref<1048704xi32, #tpu.memory_space<vmem_shared>> -> memref<8xi32, #tpu.memory_space<vmem_shared>>
        %dma_wait3A_306 = arith.constant 0 : i32
        %dma_wait3A_307 = tpu.memref_slice %arg12[%dma_wait3A_306] : memref<8192xi32, #tpu.memory_space<vmem>> -> memref<8xi32, #tpu.memory_space<vmem>>
        tpu.wait_dma2 semaphore(%run_scoped3A : memref<!tpu.dma_semaphore, #tpu.memory_space<semaphore_mem>>) src(%dma_wait3A_307 : memref<8xi32, #tpu.memory_space<vmem>>) dst(%dma_wait3A_305 : memref<8xi32, #tpu.memory_space<vmem_shared>>)
        tpu.yield
      }) : () -> ()
      %scan3A_266 = arith.constant 0 : i32
      %scan3A_267 = arith.constant 0 : i32
      %scan3A_268 = arith.constant 49 : i32
      %scan3A_269 = arith.addi %scan3A_267, %scan3A_268 : i32
      %scan3A_270 = arith.constant 1 : i32
      scf.for %scan3A_298 = %scan3A_267 to %scan3A_269 step %scan3A_270  : i32 {
        %mul3A_299 = arith.constant 128 : i32
        %mul3A_300 = arith.muli %scan3A_298, %mul3A_299 : i32
        %add3A_301 = arith.constant 0 : i32
        %add3A_302 = arith.addi %mul3A_300, %add3A_301 : i32
        %get3A = arith.index_cast %add3A_302 : i32 to index
        %get3A_303 = tpu.vector_load %arg7[%get3A] {strides = array<i32>} : memref<6272xi32, #tpu.memory_space<vmem>>, vector<16xi32>,
        %get3A_304 = vector.shape_cast %get3A_303 : vector<16xi32> to vector<16xi32>
        %sub3A_305 = arith.constant 1048576 : i32
        %sub3A_306 = vector.broadcast %sub3A_305 : i32 to vector<16xi32>
        %sub3A_307 = arith.subi %get3A_304, %sub3A_306 : vector<16xi32>
        %add3A_308 = vector.broadcast %add3A_302 : i32 to vector<16xi32>
        %add3A_309 = arith.addi %add3A_308, %iota3A : vector<16xi32>
        %ge3A = arith.constant 0 : i32
        %ge3A_310 = vector.broadcast %ge3A : i32 to vector<16xi32>
        %ge3A_311 = arith.cmpi sge, %sub3A_307, %ge3A_310 : vector<16xi32>
        %lt3A_312 = arith.constant 1048576 : i32
        %lt3A_313 = vector.broadcast %lt3A_312 : i32 to vector<16xi32>
        %lt3A_314 = arith.cmpi slt, %sub3A_307, %lt3A_313 : vector<16xi32>
        %and3A = arith.andi %ge3A_311, %lt3A_314 : vector<16xi1>
        %lt3A_315 = vector.broadcast %sub3A_225 : i32 to vector<16xi32>
        %lt3A_316 = arith.cmpi slt, %add3A_309, %lt3A_315 : vector<16xi32>
        %and3A_317 = arith.andi %and3A, %lt3A_316 : vector<16xi1>
        %and3A_318 = arith.constant 127 : i32
        %and3A_319 = vector.broadcast %and3A_318 : i32 to vector<16xi32>
        %and3A_320 = arith.andi %add3A_309, %and3A_319 : vector<16xi32>
        %add3A_321 = arith.constant 1048576 : i32
        %add3A_322 = vector.broadcast %add3A_321 : i32 to vector<16xi32>
        %add3A_323 = arith.addi %add3A_322, %and3A_320 : vector<16xi32>
        %select_n3A = arith.select %and3A_317, %sub3A_307, %add3A_323 : vector<16xi1>, vector<16xi32>
        %swap3A_324 = arith.index_cast %scan3A_298 : i32 to index
        %swap3A_325 = arith.constant 0 : index
        %swap3A_326 = tpu.vector_load %arg8[%swap3A_324, %swap3A_325] {strides = array<i32>} : memref<49x128xi32, #tpu.memory_space<vmem>>, vector<1x16xi32>,
        %swap3A_327 = vector.shape_cast %swap3A_326 : vector<1x16xi32> to vector<16xi32>
        %swap3A_328 = vector.shape_cast %select_n3A : vector<16xi32> to vector<1x16xi32>
        tpu.vector_store %arg8[%swap3A_324, %swap3A_325], %swap3A_328 {strides = array<i32>} : memref<49x128xi32, #tpu.memory_space<vmem>>, vector<1x16xi32>,
        %mul3A_329 = arith.constant 128 : i32
        %mul3A_330 = arith.muli %scan3A_298, %mul3A_329 : i32
        %add3A_331 = arith.constant 16 : i32
        %add3A_332 = arith.addi %mul3A_330, %add3A_331 : i32
        %get3A_333 = arith.index_cast %add3A_332 : i32 to index
        %get3A_334 = tpu.vector_load %arg7[%get3A_333] {strides = array<i32>} : memref<6272xi32, #tpu.memory_space<vmem>>, vector<16xi32>,
        %get3A_335 = vector.shape_cast %get3A_334 : vector<16xi32> to vector<16xi32>
        %sub3A_336 = arith.constant 1048576 : i32
        %sub3A_337 = vector.broadcast %sub3A_336 : i32 to vector<16xi32>
        %sub3A_338 = arith.subi %get3A_335, %sub3A_337 : vector<16xi32>
        %add3A_339 = vector.broadcast %add3A_332 : i32 to vector<16xi32>
        %add3A_340 = arith.addi %add3A_339, %iota3A : vector<16xi32>
        %ge3A_341 = arith.constant 0 : i32
        %ge3A_342 = vector.broadcast %ge3A_341 : i32 to vector<16xi32>
        %ge3A_343 = arith.cmpi sge, %sub3A_338, %ge3A_342 : vector<16xi32>
        %lt3A_344 = arith.constant 1048576 : i32
        %lt3A_345 = vector.broadcast %lt3A_344 : i32 to vector<16xi32>
        %lt3A_346 = arith.cmpi slt, %sub3A_338, %lt3A_345 : vector<16xi32>
        %and3A_347 = arith.andi %ge3A_343, %lt3A_346 : vector<16xi1>
        %lt3A_348 = vector.broadcast %sub3A_225 : i32 to vector<16xi32>
        %lt3A_349 = arith.cmpi slt, %add3A_340, %lt3A_348 : vector<16xi32>
        %and3A_350 = arith.andi %and3A_347, %lt3A_349 : vector<16xi1>
        %and3A_351 = arith.constant 127 : i32
        %and3A_352 = vector.broadcast %and3A_351 : i32 to vector<16xi32>
        %and3A_353 = arith.andi %add3A_340, %and3A_352 : vector<16xi32>
        %add3A_354 = arith.constant 1048576 : i32
        %add3A_355 = vector.broadcast %add3A_354 : i32 to vector<16xi32>
        %add3A_356 = arith.addi %add3A_355, %and3A_353 : vector<16xi32>
        %select_n3A_357 = arith.select %and3A_350, %sub3A_338, %add3A_356 : vector<16xi1>, vector<16xi32>
        %swap3A_358 = arith.index_cast %scan3A_298 : i32 to index
        %swap3A_359 = arith.constant 16 : index
        %swap3A_360 = tpu.vector_load %arg8[%swap3A_358, %swap3A_359] {strides = array<i32>} : memref<49x128xi32, #tpu.memory_space<vmem>>, vector<1x16xi32>,
        %swap3A_361 = vector.shape_cast %swap3A_360 : vector<1x16xi32> to vector<16xi32>
        %swap3A_362 = vector.shape_cast %select_n3A_357 : vector<16xi32> to vector<1x16xi32>
        tpu.vector_store %arg8[%swap3A_358, %swap3A_359], %swap3A_362 {strides = array<i32>} : memref<49x128xi32, #tpu.memory_space<vmem>>, vector<1x16xi32>,
        %mul3A_363 = arith.constant 128 : i32
        %mul3A_364 = arith.muli %scan3A_298, %mul3A_363 : i32
        %add3A_365 = arith.constant 32 : i32
        %add3A_366 = arith.addi %mul3A_364, %add3A_365 : i32
        %get3A_367 = arith.index_cast %add3A_366 : i32 to index
        %get3A_368 = tpu.vector_load %arg7[%get3A_367] {strides = array<i32>} : memref<6272xi32, #tpu.memory_space<vmem>>, vector<16xi32>,
        %get3A_369 = vector.shape_cast %get3A_368 : vector<16xi32> to vector<16xi32>
        %sub3A_370 = arith.constant 1048576 : i32
        %sub3A_371 = vector.broadcast %sub3A_370 : i32 to vector<16xi32>
        %sub3A_372 = arith.subi %get3A_369, %sub3A_371 : vector<16xi32>
        %add3A_373 = vector.broadcast %add3A_366 : i32 to vector<16xi32>
        %add3A_374 = arith.addi %add3A_373, %iota3A : vector<16xi32>
        %ge3A_375 = arith.constant 0 : i32
        %ge3A_376 = vector.broadcast %ge3A_375 : i32 to vector<16xi32>
        %ge3A_377 = arith.cmpi sge, %sub3A_372, %ge3A_376 : vector<16xi32>
        %lt3A_378 = arith.constant 1048576 : i32
        %lt3A_379 = vector.broadcast %lt3A_378 : i32 to vector<16xi32>
        %lt3A_380 = arith.cmpi slt, %sub3A_372, %lt3A_379 : vector<16xi32>
        %and3A_381 = arith.andi %ge3A_377, %lt3A_380 : vector<16xi1>
        %lt3A_382 = vector.broadcast %sub3A_225 : i32 to vector<16xi32>
        %lt3A_383 = arith.cmpi slt, %add3A_374, %lt3A_382 : vector<16xi32>
        %and3A_384 = arith.andi %and3A_381, %lt3A_383 : vector<16xi1>
        %and3A_385 = arith.constant 127 : i32
        %and3A_386 = vector.broadcast %and3A_385 : i32 to vector<16xi32>
        %and3A_387 = arith.andi %add3A_374, %and3A_386 : vector<16xi32>
        %add3A_388 = arith.constant 1048576 : i32
        %add3A_389 = vector.broadcast %add3A_388 : i32 to vector<16xi32>
        %add3A_390 = arith.addi %add3A_389, %and3A_387 : vector<16xi32>
        %select_n3A_391 = arith.select %and3A_384, %sub3A_372, %add3A_390 : vector<16xi1>, vector<16xi32>
        %swap3A_392 = arith.index_cast %scan3A_298 : i32 to index
        %swap3A_393 = arith.constant 32 : index
        %swap3A_394 = tpu.vector_load %arg8[%swap3A_392, %swap3A_393] {strides = array<i32>} : memref<49x128xi32, #tpu.memory_space<vmem>>, vector<1x16xi32>,
        %swap3A_395 = vector.shape_cast %swap3A_394 : vector<1x16xi32> to vector<16xi32>
        %swap3A_396 = vector.shape_cast %select_n3A_391 : vector<16xi32> to vector<1x16xi32>
        tpu.vector_store %arg8[%swap3A_392, %swap3A_393], %swap3A_396 {strides = array<i32>} : memref<49x128xi32, #tpu.memory_space<vmem>>, vector<1x16xi32>,
        %mul3A_397 = arith.constant 128 : i32
        %mul3A_398 = arith.muli %scan3A_298, %mul3A_397 : i32
        %add3A_399 = arith.constant 48 : i32
        %add3A_400 = arith.addi %mul3A_398, %add3A_399 : i32
        %get3A_401 = arith.index_cast %add3A_400 : i32 to index
        %get3A_402 = tpu.vector_load %arg7[%get3A_401] {strides = array<i32>} : memref<6272xi32, #tpu.memory_space<vmem>>, vector<16xi32>,
        %get3A_403 = vector.shape_cast %get3A_402 : vector<16xi32> to vector<16xi32>
        %sub3A_404 = arith.constant 1048576 : i32
        %sub3A_405 = vector.broadcast %sub3A_404 : i32 to vector<16xi32>
        %sub3A_406 = arith.subi %get3A_403, %sub3A_405 : vector<16xi32>
        %add3A_407 = vector.broadcast %add3A_400 : i32 to vector<16xi32>
        %add3A_408 = arith.addi %add3A_407, %iota3A : vector<16xi32>
        %ge3A_409 = arith.constant 0 : i32
        %ge3A_410 = vector.broadcast %ge3A_409 : i32 to vector<16xi32>
        %ge3A_411 = arith.cmpi sge, %sub3A_406, %ge3A_410 : vector<16xi32>
        %lt3A_412 = arith.constant 1048576 : i32
        %lt3A_413 = vector.broadcast %lt3A_412 : i32 to vector<16xi32>
        %lt3A_414 = arith.cmpi slt, %sub3A_406, %lt3A_413 : vector<16xi32>
        %and3A_415 = arith.andi %ge3A_411, %lt3A_414 : vector<16xi1>
        %lt3A_416 = vector.broadcast %sub3A_225 : i32 to vector<16xi32>
        %lt3A_417 = arith.cmpi slt, %add3A_408, %lt3A_416 : vector<16xi32>
        %and3A_418 = arith.andi %and3A_415, %lt3A_417 : vector<16xi1>
        %and3A_419 = arith.constant 127 : i32
        %and3A_420 = vector.broadcast %and3A_419 : i32 to vector<16xi32>
        %and3A_421 = arith.andi %add3A_408, %and3A_420 : vector<16xi32>
        %add3A_422 = arith.constant 1048576 : i32
        %add3A_423 = vector.broadcast %add3A_422 : i32 to vector<16xi32>
        %add3A_424 = arith.addi %add3A_423, %and3A_421 : vector<16xi32>
        %select_n3A_425 = arith.select %and3A_418, %sub3A_406, %add3A_424 : vector<16xi1>, vector<16xi32>
        %swap3A_426 = arith.index_cast %scan3A_298 : i32 to index
        %swap3A_427 = arith.constant 48 : index
        %swap3A_428 = tpu.vector_load %arg8[%swap3A_426, %swap3A_427] {strides = array<i32>} : memref<49x128xi32, #tpu.memory_space<vmem>>, vector<1x16xi32>,
        %swap3A_429 = vector.shape_cast %swap3A_428 : vector<1x16xi32> to vector<16xi32>
        %swap3A_430 = vector.shape_cast %select_n3A_425 : vector<16xi32> to vector<1x16xi32>
        tpu.vector_store %arg8[%swap3A_426, %swap3A_427], %swap3A_430 {strides = array<i32>} : memref<49x128xi32, #tpu.memory_space<vmem>>, vector<1x16xi32>,
        %mul3A_431 = arith.constant 128 : i32
        %mul3A_432 = arith.muli %scan3A_298, %mul3A_431 : i32
        %add3A_433 = arith.constant 64 : i32
        %add3A_434 = arith.addi %mul3A_432, %add3A_433 : i32
        %get3A_435 = arith.index_cast %add3A_434 : i32 to index
        %get3A_436 = tpu.vector_load %arg7[%get3A_435] {strides = array<i32>} : memref<6272xi32, #tpu.memory_space<vmem>>, vector<16xi32>,
        %get3A_437 = vector.shape_cast %get3A_436 : vector<16xi32> to vector<16xi32>
        %sub3A_438 = arith.constant 1048576 : i32
        %sub3A_439 = vector.broadcast %sub3A_438 : i32 to vector<16xi32>
        %sub3A_440 = arith.subi %get3A_437, %sub3A_439 : vector<16xi32>
        %add3A_441 = vector.broadcast %add3A_434 : i32 to vector<16xi32>
        %add3A_442 = arith.addi %add3A_441, %iota3A : vector<16xi32>
        %ge3A_443 = arith.constant 0 : i32
        %ge3A_444 = vector.broadcast %ge3A_443 : i32 to vector<16xi32>
        %ge3A_445 = arith.cmpi sge, %sub3A_440, %ge3A_444 : vector<16xi32>
        %lt3A_446 = arith.constant 1048576 : i32
        %lt3A_447 = vector.broadcast %lt3A_446 : i32 to vector<16xi32>
        %lt3A_448 = arith.cmpi slt, %sub3A_440, %lt3A_447 : vector<16xi32>
        %and3A_449 = arith.andi %ge3A_445, %lt3A_448 : vector<16xi1>
        %lt3A_450 = vector.broadcast %sub3A_225 : i32 to vector<16xi32>
        %lt3A_451 = arith.cmpi slt, %add3A_442, %lt3A_450 : vector<16xi32>
        %and3A_452 = arith.andi %and3A_449, %lt3A_451 : vector<16xi1>
        %and3A_453 = arith.constant 127 : i32
        %and3A_454 = vector.broadcast %and3A_453 : i32 to vector<16xi32>
        %and3A_455 = arith.andi %add3A_442, %and3A_454 : vector<16xi32>
        %add3A_456 = arith.constant 1048576 : i32
        %add3A_457 = vector.broadcast %add3A_456 : i32 to vector<16xi32>
        %add3A_458 = arith.addi %add3A_457, %and3A_455 : vector<16xi32>
        %select_n3A_459 = arith.select %and3A_452, %sub3A_440, %add3A_458 : vector<16xi1>, vector<16xi32>
        %swap3A_460 = arith.index_cast %scan3A_298 : i32 to index
        %swap3A_461 = arith.constant 64 : index
        %swap3A_462 = tpu.vector_load %arg8[%swap3A_460, %swap3A_461] {strides = array<i32>} : memref<49x128xi32, #tpu.memory_space<vmem>>, vector<1x16xi32>,
        %swap3A_463 = vector.shape_cast %swap3A_462 : vector<1x16xi32> to vector<16xi32>
        %swap3A_464 = vector.shape_cast %select_n3A_459 : vector<16xi32> to vector<1x16xi32>
        tpu.vector_store %arg8[%swap3A_460, %swap3A_461], %swap3A_464 {strides = array<i32>} : memref<49x128xi32, #tpu.memory_space<vmem>>, vector<1x16xi32>,
        %mul3A_465 = arith.constant 128 : i32
        %mul3A_466 = arith.muli %scan3A_298, %mul3A_465 : i32
        %add3A_467 = arith.constant 80 : i32
        %add3A_468 = arith.addi %mul3A_466, %add3A_467 : i32
        %get3A_469 = arith.index_cast %add3A_468 : i32 to index
        %get3A_470 = tpu.vector_load %arg7[%get3A_469] {strides = array<i32>} : memref<6272xi32, #tpu.memory_space<vmem>>, vector<16xi32>,
        %get3A_471 = vector.shape_cast %get3A_470 : vector<16xi32> to vector<16xi32>
        %sub3A_472 = arith.constant 1048576 : i32
        %sub3A_473 = vector.broadcast %sub3A_472 : i32 to vector<16xi32>
        %sub3A_474 = arith.subi %get3A_471, %sub3A_473 : vector<16xi32>
        %add3A_475 = vector.broadcast %add3A_468 : i32 to vector<16xi32>
        %add3A_476 = arith.addi %add3A_475, %iota3A : vector<16xi32>
        %ge3A_477 = arith.constant 0 : i32
        %ge3A_478 = vector.broadcast %ge3A_477 : i32 to vector<16xi32>
        %ge3A_479 = arith.cmpi sge, %sub3A_474, %ge3A_478 : vector<16xi32>
        %lt3A_480 = arith.constant 1048576 : i32
        %lt3A_481 = vector.broadcast %lt3A_480 : i32 to vector<16xi32>
        %lt3A_482 = arith.cmpi slt, %sub3A_474, %lt3A_481 : vector<16xi32>
        %and3A_483 = arith.andi %ge3A_479, %lt3A_482 : vector<16xi1>
        %lt3A_484 = vector.broadcast %sub3A_225 : i32 to vector<16xi32>
        %lt3A_485 = arith.cmpi slt, %add3A_476, %lt3A_484 : vector<16xi32>
        %and3A_486 = arith.andi %and3A_483, %lt3A_485 : vector<16xi1>
        %and3A_487 = arith.constant 127 : i32
        %and3A_488 = vector.broadcast %and3A_487 : i32 to vector<16xi32>
        %and3A_489 = arith.andi %add3A_476, %and3A_488 : vector<16xi32>
        %add3A_490 = arith.constant 1048576 : i32
        %add3A_491 = vector.broadcast %add3A_490 : i32 to vector<16xi32>
        %add3A_492 = arith.addi %add3A_491, %and3A_489 : vector<16xi32>
        %select_n3A_493 = arith.select %and3A_486, %sub3A_474, %add3A_492 : vector<16xi1>, vector<16xi32>
        %swap3A_494 = arith.index_cast %scan3A_298 : i32 to index
        %swap3A_495 = arith.constant 80 : index
        %swap3A_496 = tpu.vector_load %arg8[%swap3A_494, %swap3A_495] {strides = array<i32>} : memref<49x128xi32, #tpu.memory_space<vmem>>, vector<1x16xi32>,
        %swap3A_497 = vector.shape_cast %swap3A_496 : vector<1x16xi32> to vector<16xi32>
        %swap3A_498 = vector.shape_cast %select_n3A_493 : vector<16xi32> to vector<1x16xi32>
        tpu.vector_store %arg8[%swap3A_494, %swap3A_495], %swap3A_498 {strides = array<i32>} : memref<49x128xi32, #tpu.memory_space<vmem>>, vector<1x16xi32>,
        %mul3A_499 = arith.constant 128 : i32
        %mul3A_500 = arith.muli %scan3A_298, %mul3A_499 : i32
        %add3A_501 = arith.constant 96 : i32
        %add3A_502 = arith.addi %mul3A_500, %add3A_501 : i32
        %get3A_503 = arith.index_cast %add3A_502 : i32 to index
        %get3A_504 = tpu.vector_load %arg7[%get3A_503] {strides = array<i32>} : memref<6272xi32, #tpu.memory_space<vmem>>, vector<16xi32>,
        %get3A_505 = vector.shape_cast %get3A_504 : vector<16xi32> to vector<16xi32>
        %sub3A_506 = arith.constant 1048576 : i32
        %sub3A_507 = vector.broadcast %sub3A_506 : i32 to vector<16xi32>
        %sub3A_508 = arith.subi %get3A_505, %sub3A_507 : vector<16xi32>
        %add3A_509 = vector.broadcast %add3A_502 : i32 to vector<16xi32>
        %add3A_510 = arith.addi %add3A_509, %iota3A : vector<16xi32>
        %ge3A_511 = arith.constant 0 : i32
        %ge3A_512 = vector.broadcast %ge3A_511 : i32 to vector<16xi32>
        %ge3A_513 = arith.cmpi sge, %sub3A_508, %ge3A_512 : vector<16xi32>
        %lt3A_514 = arith.constant 1048576 : i32
        %lt3A_515 = vector.broadcast %lt3A_514 : i32 to vector<16xi32>
        %lt3A_516 = arith.cmpi slt, %sub3A_508, %lt3A_515 : vector<16xi32>
        %and3A_517 = arith.andi %ge3A_513, %lt3A_516 : vector<16xi1>
        %lt3A_518 = vector.broadcast %sub3A_225 : i32 to vector<16xi32>
        %lt3A_519 = arith.cmpi slt, %add3A_510, %lt3A_518 : vector<16xi32>
        %and3A_520 = arith.andi %and3A_517, %lt3A_519 : vector<16xi1>
        %and3A_521 = arith.constant 127 : i32
        %and3A_522 = vector.broadcast %and3A_521 : i32 to vector<16xi32>
        %and3A_523 = arith.andi %add3A_510, %and3A_522 : vector<16xi32>
        %add3A_524 = arith.constant 1048576 : i32
        %add3A_525 = vector.broadcast %add3A_524 : i32 to vector<16xi32>
        %add3A_526 = arith.addi %add3A_525, %and3A_523 : vector<16xi32>
        %select_n3A_527 = arith.select %and3A_520, %sub3A_508, %add3A_526 : vector<16xi1>, vector<16xi32>
        %swap3A_528 = arith.index_cast %scan3A_298 : i32 to index
        %swap3A_529 = arith.constant 96 : index
        %swap3A_530 = tpu.vector_load %arg8[%swap3A_528, %swap3A_529] {strides = array<i32>} : memref<49x128xi32, #tpu.memory_space<vmem>>, vector<1x16xi32>,
        %swap3A_531 = vector.shape_cast %swap3A_530 : vector<1x16xi32> to vector<16xi32>
        %swap3A_532 = vector.shape_cast %select_n3A_527 : vector<16xi32> to vector<1x16xi32>
        tpu.vector_store %arg8[%swap3A_528, %swap3A_529], %swap3A_532 {strides = array<i32>} : memref<49x128xi32, #tpu.memory_space<vmem>>, vector<1x16xi32>,
        %mul3A_533 = arith.constant 128 : i32
        %mul3A_534 = arith.muli %scan3A_298, %mul3A_533 : i32
        %add3A_535 = arith.constant 112 : i32
        %add3A_536 = arith.addi %mul3A_534, %add3A_535 : i32
        %get3A_537 = arith.index_cast %add3A_536 : i32 to index
        %get3A_538 = tpu.vector_load %arg7[%get3A_537] {strides = array<i32>} : memref<6272xi32, #tpu.memory_space<vmem>>, vector<16xi32>,
        %get3A_539 = vector.shape_cast %get3A_538 : vector<16xi32> to vector<16xi32>
        %sub3A_540 = arith.constant 1048576 : i32
        %sub3A_541 = vector.broadcast %sub3A_540 : i32 to vector<16xi32>
        %sub3A_542 = arith.subi %get3A_539, %sub3A_541 : vector<16xi32>
        %add3A_543 = vector.broadcast %add3A_536 : i32 to vector<16xi32>
        %add3A_544 = arith.addi %add3A_543, %iota3A : vector<16xi32>
        %ge3A_545 = arith.constant 0 : i32
        %ge3A_546 = vector.broadcast %ge3A_545 : i32 to vector<16xi32>
        %ge3A_547 = arith.cmpi sge, %sub3A_542, %ge3A_546 : vector<16xi32>
        %lt3A_548 = arith.constant 1048576 : i32
        %lt3A_549 = vector.broadcast %lt3A_548 : i32 to vector<16xi32>
        %lt3A_550 = arith.cmpi slt, %sub3A_542, %lt3A_549 : vector<16xi32>
        %and3A_551 = arith.andi %ge3A_547, %lt3A_550 : vector<16xi1>
        %lt3A_552 = vector.broadcast %sub3A_225 : i32 to vector<16xi32>
        %lt3A_553 = arith.cmpi slt, %add3A_544, %lt3A_552 : vector<16xi32>
        %and3A_554 = arith.andi %and3A_551, %lt3A_553 : vector<16xi1>
        %and3A_555 = arith.constant 127 : i32
        %and3A_556 = vector.broadcast %and3A_555 : i32 to vector<16xi32>
        %and3A_557 = arith.andi %add3A_544, %and3A_556 : vector<16xi32>
        %add3A_558 = arith.constant 1048576 : i32
        %add3A_559 = vector.broadcast %add3A_558 : i32 to vector<16xi32>
        %add3A_560 = arith.addi %add3A_559, %and3A_557 : vector<16xi32>
        %select_n3A_561 = arith.select %and3A_554, %sub3A_542, %add3A_560 : vector<16xi1>, vector<16xi32>
        %swap3A_562 = arith.index_cast %scan3A_298 : i32 to index
        %swap3A_563 = arith.constant 112 : index
        %swap3A_564 = tpu.vector_load %arg8[%swap3A_562, %swap3A_563] {strides = array<i32>} : memref<49x128xi32, #tpu.memory_space<vmem>>, vector<1x16xi32>,
        %swap3A_565 = vector.shape_cast %swap3A_564 : vector<1x16xi32> to vector<16xi32>
        %swap3A_566 = vector.shape_cast %select_n3A_561 : vector<16xi32> to vector<1x16xi32>
        tpu.vector_store %arg8[%swap3A_562, %swap3A_563], %swap3A_566 {strides = array<i32>} : memref<49x128xi32, #tpu.memory_space<vmem>>, vector<1x16xi32>,
      }
      %scan3A_271 = arith.constant 49 : i32
      %barrier3A_272 = arith.constant 0 : index
      tpu.barrier barrier_id(%barrier3A_272)
      %scan3A_273 = arith.constant 0 : i32
      %scan3A_274 = arith.constant 0 : i32
      %scan3A_275 = arith.constant 49 : i32
      %scan3A_276 = arith.addi %scan3A_274, %scan3A_275 : i32
      %scan3A_277 = arith.constant 1 : i32
      scf.for %scan3A_298 = %scan3A_274 to %scan3A_276 step %scan3A_277  : i32 {
        "tpu.region"() ({
          %run_scoped3A = tpu.sem_alloc : memref<!tpu.dma_semaphore, #tpu.memory_space<semaphore_mem>>
          %dma_start3A = arith.constant 0 : i32
          %dma_start3A_299 = tpu.memref_slice %arg8[%scan3A_298, %dma_start3A] : memref<49x128xi32, #tpu.memory_space<vmem>> -> memref<1x128xi32, #tpu.memory_space<vmem>>
          %dma_start3A_300 = tpu.memref_squeeze %dma_start3A_299 : memref<1x128xi32, #tpu.memory_space<vmem>> -> memref<128xi32, #tpu.memory_space<vmem>>
          %dma_start3A_301 = arith.constant 0 : i32
          %dma_start3A_302 = tpu.memref_slice %arg13[%dma_start3A_301] : memref<1048704xi32, #tpu.memory_space<vmem_shared>> -> memref<1048704xi32, #tpu.memory_space<vmem_shared>>
          tpu.enqueue_indirect_dma source(%arg11 : memref<128xi32, #tpu.memory_space<vmem>>) target(%dma_start3A_302 : memref<1048704xi32, #tpu.memory_space<vmem_shared>>) offsets(%dma_start3A_300 : memref<128xi32, #tpu.memory_space<vmem>>) semaphore(%run_scoped3A : memref<!tpu.dma_semaphore, #tpu.memory_space<semaphore_mem>>) {add = true}
          %dma_wait3A = arith.constant 0 : i32
          %dma_wait3A_303 = tpu.memref_slice %arg8[%scan3A_298, %dma_wait3A] : memref<49x128xi32, #tpu.memory_space<vmem>> -> memref<1x128xi32, #tpu.memory_space<vmem>>
          %dma_wait3A_304 = tpu.memref_squeeze %dma_wait3A_303 : memref<1x128xi32, #tpu.memory_space<vmem>> -> memref<128xi32, #tpu.memory_space<vmem>>
          %dma_wait3A_305 = arith.constant 0 : i32
          %dma_wait3A_306 = tpu.memref_slice %arg13[%dma_wait3A_305] : memref<1048704xi32, #tpu.memory_space<vmem_shared>> -> memref<1048704xi32, #tpu.memory_space<vmem_shared>>
          tpu.wait_indirect_dma semaphore(%run_scoped3A : memref<!tpu.dma_semaphore, #tpu.memory_space<semaphore_mem>>) src(%arg11 : memref<128xi32, #tpu.memory_space<vmem>>) dst(%dma_wait3A_306 : memref<1048704xi32, #tpu.memory_space<vmem_shared>>)
          tpu.yield
        }) : () -> ()
      }
      %scan3A_278 = arith.constant 49 : i32
      %barrier3A_279 = arith.constant 0 : index
      tpu.barrier barrier_id(%barrier3A_279)
      %scan3A_280 = arith.constant 0 : i32
      %scan3A_281 = arith.constant 0 : i32
      %scan3A_282 = arith.constant 49 : i32
      %scan3A_283 = arith.addi %scan3A_281, %scan3A_282 : i32
      %scan3A_284 = arith.constant 1 : i32
      scf.for %scan3A_298 = %scan3A_281 to %scan3A_283 step %scan3A_284  : i32 {
        "tpu.region"() ({
          %run_scoped3A = tpu.sem_alloc : memref<!tpu.dma_semaphore, #tpu.memory_space<semaphore_mem>>
          %dma_start3A = arith.constant 0 : i32
          %dma_start3A_299 = tpu.memref_slice %arg10[%scan3A_298, %dma_start3A] : memref<49x128xi32, #tpu.memory_space<vmem>> -> memref<1x128xi32, #tpu.memory_space<vmem>>
          %dma_start3A_300 = tpu.memref_squeeze %dma_start3A_299 : memref<1x128xi32, #tpu.memory_space<vmem>> -> memref<128xi32, #tpu.memory_space<vmem>>
          %dma_start3A_301 = arith.constant 0 : i32
          %dma_start3A_302 = tpu.memref_slice %arg8[%scan3A_298, %dma_start3A_301] : memref<49x128xi32, #tpu.memory_space<vmem>> -> memref<1x128xi32, #tpu.memory_space<vmem>>
          %dma_start3A_303 = tpu.memref_squeeze %dma_start3A_302 : memref<1x128xi32, #tpu.memory_space<vmem>> -> memref<128xi32, #tpu.memory_space<vmem>>
          %dma_start3A_304 = arith.constant 0 : i32
          %dma_start3A_305 = tpu.memref_slice %arg13[%dma_start3A_304] : memref<1048704xi32, #tpu.memory_space<vmem_shared>> -> memref<1048704xi32, #tpu.memory_space<vmem_shared>>
          tpu.enqueue_indirect_dma source(%dma_start3A_305 : memref<1048704xi32, #tpu.memory_space<vmem_shared>>) target(%dma_start3A_300 : memref<128xi32, #tpu.memory_space<vmem>>) offsets(%dma_start3A_303 : memref<128xi32, #tpu.memory_space<vmem>>) semaphore(%run_scoped3A : memref<!tpu.dma_semaphore, #tpu.memory_space<semaphore_mem>>)
          %dma_wait3A = arith.constant 0 : i32
          %dma_wait3A_306 = tpu.memref_slice %arg10[%scan3A_298, %dma_wait3A] : memref<49x128xi32, #tpu.memory_space<vmem>> -> memref<1x128xi32, #tpu.memory_space<vmem>>
          %dma_wait3A_307 = tpu.memref_squeeze %dma_wait3A_306 : memref<1x128xi32, #tpu.memory_space<vmem>> -> memref<128xi32, #tpu.memory_space<vmem>>
          %dma_wait3A_308 = arith.constant 0 : i32
          %dma_wait3A_309 = tpu.memref_slice %arg8[%scan3A_298, %dma_wait3A_308] : memref<49x128xi32, #tpu.memory_space<vmem>> -> memref<1x128xi32, #tpu.memory_space<vmem>>
          %dma_wait3A_310 = tpu.memref_squeeze %dma_wait3A_309 : memref<1x128xi32, #tpu.memory_space<vmem>> -> memref<128xi32, #tpu.memory_space<vmem>>
          %dma_wait3A_311 = arith.constant 0 : i32
          %dma_wait3A_312 = tpu.memref_slice %arg13[%dma_wait3A_311] : memref<1048704xi32, #tpu.memory_space<vmem_shared>> -> memref<1048704xi32, #tpu.memory_space<vmem_shared>>
          tpu.wait_indirect_dma semaphore(%run_scoped3A : memref<!tpu.dma_semaphore, #tpu.memory_space<semaphore_mem>>) src(%dma_wait3A_312 : memref<1048704xi32, #tpu.memory_space<vmem_shared>>) dst(%dma_wait3A_307 : memref<128xi32, #tpu.memory_space<vmem>>)
          tpu.yield
        }) : () -> ()
      }
      %scan3A_285 = arith.constant 49 : i32
      %scan3A_286 = arith.constant 0 : i32
      %scan3A_287 = arith.constant 0 : i32
      %scan3A_288 = arith.constant 49 : i32
      %scan3A_289 = arith.addi %scan3A_287, %scan3A_288 : i32
      %scan3A_290 = arith.constant 1 : i32
      scf.for %scan3A_298 = %scan3A_287 to %scan3A_289 step %scan3A_290  : i32 {
        %mul3A_299 = arith.constant 128 : i32
        %mul3A_300 = arith.muli %scan3A_298, %mul3A_299 : i32
        %add3A_301 = arith.constant 0 : i32
        %add3A_302 = arith.addi %mul3A_300, %add3A_301 : i32
        %get3A = arith.index_cast %add3A_302 : i32 to index
        %get3A_303 = tpu.vector_load %arg7[%get3A] {strides = array<i32>} : memref<6272xi32, #tpu.memory_space<vmem>>, vector<16xi32>,
        %get3A_304 = vector.shape_cast %get3A_303 : vector<16xi32> to vector<16xi32>
        %lt3A_305 = arith.constant 1048576 : i32
        %lt3A_306 = vector.broadcast %lt3A_305 : i32 to vector<16xi32>
        %lt3A_307 = arith.cmpi slt, %get3A_304, %lt3A_306 : vector<16xi32>
        %get3A_308 = arith.index_cast %scan3A_298 : i32 to index
        %get3A_309 = arith.constant 0 : index
        %get3A_310 = tpu.vector_load %arg9[%get3A_308, %get3A_309] {strides = array<i32>} : memref<49x128xi32, #tpu.memory_space<vmem>>, vector<1x16xi32>,
        %get3A_311 = vector.shape_cast %get3A_310 : vector<1x16xi32> to vector<16xi32>
        %get3A_312 = arith.index_cast %scan3A_298 : i32 to index
        %get3A_313 = arith.constant 0 : index
        %get3A_314 = tpu.vector_load %arg10[%get3A_312, %get3A_313] {strides = array<i32>} : memref<49x128xi32, #tpu.memory_space<vmem>>, vector<1x16xi32>,
        %get3A_315 = vector.shape_cast %get3A_314 : vector<1x16xi32> to vector<16xi32>
        %select_n3A = arith.select %lt3A_307, %get3A_311, %get3A_315 : vector<16xi1>, vector<16xi32>
        %swap3A_316 = arith.index_cast %add3A_302 : i32 to index
        %swap3A_317 = tpu.vector_load %arg7[%swap3A_316] {strides = array<i32>} : memref<6272xi32, #tpu.memory_space<vmem>>, vector<16xi32>,
        %swap3A_318 = vector.shape_cast %swap3A_317 : vector<16xi32> to vector<16xi32>
        %swap3A_319 = vector.shape_cast %select_n3A : vector<16xi32> to vector<16xi32>
        tpu.vector_store %arg7[%swap3A_316], %swap3A_319 {strides = array<i32>} : memref<6272xi32, #tpu.memory_space<vmem>>, vector<16xi32>,
        %mul3A_320 = arith.constant 128 : i32
        %mul3A_321 = arith.muli %scan3A_298, %mul3A_320 : i32
        %add3A_322 = arith.constant 16 : i32
        %add3A_323 = arith.addi %mul3A_321, %add3A_322 : i32
        %get3A_324 = arith.index_cast %add3A_323 : i32 to index
        %get3A_325 = tpu.vector_load %arg7[%get3A_324] {strides = array<i32>} : memref<6272xi32, #tpu.memory_space<vmem>>, vector<16xi32>,
        %get3A_326 = vector.shape_cast %get3A_325 : vector<16xi32> to vector<16xi32>
        %lt3A_327 = arith.constant 1048576 : i32
        %lt3A_328 = vector.broadcast %lt3A_327 : i32 to vector<16xi32>
        %lt3A_329 = arith.cmpi slt, %get3A_326, %lt3A_328 : vector<16xi32>
        %get3A_330 = arith.index_cast %scan3A_298 : i32 to index
        %get3A_331 = arith.constant 16 : index
        %get3A_332 = tpu.vector_load %arg9[%get3A_330, %get3A_331] {strides = array<i32>} : memref<49x128xi32, #tpu.memory_space<vmem>>, vector<1x16xi32>,
        %get3A_333 = vector.shape_cast %get3A_332 : vector<1x16xi32> to vector<16xi32>
        %get3A_334 = arith.index_cast %scan3A_298 : i32 to index
        %get3A_335 = arith.constant 16 : index
        %get3A_336 = tpu.vector_load %arg10[%get3A_334, %get3A_335] {strides = array<i32>} : memref<49x128xi32, #tpu.memory_space<vmem>>, vector<1x16xi32>,
        %get3A_337 = vector.shape_cast %get3A_336 : vector<1x16xi32> to vector<16xi32>
        %select_n3A_338 = arith.select %lt3A_329, %get3A_333, %get3A_337 : vector<16xi1>, vector<16xi32>
        %swap3A_339 = arith.index_cast %add3A_323 : i32 to index
        %swap3A_340 = tpu.vector_load %arg7[%swap3A_339] {strides = array<i32>} : memref<6272xi32, #tpu.memory_space<vmem>>, vector<16xi32>,
        %swap3A_341 = vector.shape_cast %swap3A_340 : vector<16xi32> to vector<16xi32>
        %swap3A_342 = vector.shape_cast %select_n3A_338 : vector<16xi32> to vector<16xi32>
        tpu.vector_store %arg7[%swap3A_339], %swap3A_342 {strides = array<i32>} : memref<6272xi32, #tpu.memory_space<vmem>>, vector<16xi32>,
        %mul3A_343 = arith.constant 128 : i32
        %mul3A_344 = arith.muli %scan3A_298, %mul3A_343 : i32
        %add3A_345 = arith.constant 32 : i32
        %add3A_346 = arith.addi %mul3A_344, %add3A_345 : i32
        %get3A_347 = arith.index_cast %add3A_346 : i32 to index
        %get3A_348 = tpu.vector_load %arg7[%get3A_347] {strides = array<i32>} : memref<6272xi32, #tpu.memory_space<vmem>>, vector<16xi32>,
        %get3A_349 = vector.shape_cast %get3A_348 : vector<16xi32> to vector<16xi32>
        %lt3A_350 = arith.constant 1048576 : i32
        %lt3A_351 = vector.broadcast %lt3A_350 : i32 to vector<16xi32>
        %lt3A_352 = arith.cmpi slt, %get3A_349, %lt3A_351 : vector<16xi32>
        %get3A_353 = arith.index_cast %scan3A_298 : i32 to index
        %get3A_354 = arith.constant 32 : index
        %get3A_355 = tpu.vector_load %arg9[%get3A_353, %get3A_354] {strides = array<i32>} : memref<49x128xi32, #tpu.memory_space<vmem>>, vector<1x16xi32>,
        %get3A_356 = vector.shape_cast %get3A_355 : vector<1x16xi32> to vector<16xi32>
        %get3A_357 = arith.index_cast %scan3A_298 : i32 to index
        %get3A_358 = arith.constant 32 : index
        %get3A_359 = tpu.vector_load %arg10[%get3A_357, %get3A_358] {strides = array<i32>} : memref<49x128xi32, #tpu.memory_space<vmem>>, vector<1x16xi32>,
        %get3A_360 = vector.shape_cast %get3A_359 : vector<1x16xi32> to vector<16xi32>
        %select_n3A_361 = arith.select %lt3A_352, %get3A_356, %get3A_360 : vector<16xi1>, vector<16xi32>
        %swap3A_362 = arith.index_cast %add3A_346 : i32 to index
        %swap3A_363 = tpu.vector_load %arg7[%swap3A_362] {strides = array<i32>} : memref<6272xi32, #tpu.memory_space<vmem>>, vector<16xi32>,
        %swap3A_364 = vector.shape_cast %swap3A_363 : vector<16xi32> to vector<16xi32>
        %swap3A_365 = vector.shape_cast %select_n3A_361 : vector<16xi32> to vector<16xi32>
        tpu.vector_store %arg7[%swap3A_362], %swap3A_365 {strides = array<i32>} : memref<6272xi32, #tpu.memory_space<vmem>>, vector<16xi32>,
        %mul3A_366 = arith.constant 128 : i32
        %mul3A_367 = arith.muli %scan3A_298, %mul3A_366 : i32
        %add3A_368 = arith.constant 48 : i32
        %add3A_369 = arith.addi %mul3A_367, %add3A_368 : i32
        %get3A_370 = arith.index_cast %add3A_369 : i32 to index
        %get3A_371 = tpu.vector_load %arg7[%get3A_370] {strides = array<i32>} : memref<6272xi32, #tpu.memory_space<vmem>>, vector<16xi32>,
        %get3A_372 = vector.shape_cast %get3A_371 : vector<16xi32> to vector<16xi32>
        %lt3A_373 = arith.constant 1048576 : i32
        %lt3A_374 = vector.broadcast %lt3A_373 : i32 to vector<16xi32>
        %lt3A_375 = arith.cmpi slt, %get3A_372, %lt3A_374 : vector<16xi32>
        %get3A_376 = arith.index_cast %scan3A_298 : i32 to index
        %get3A_377 = arith.constant 48 : index
        %get3A_378 = tpu.vector_load %arg9[%get3A_376, %get3A_377] {strides = array<i32>} : memref<49x128xi32, #tpu.memory_space<vmem>>, vector<1x16xi32>,
        %get3A_379 = vector.shape_cast %get3A_378 : vector<1x16xi32> to vector<16xi32>
        %get3A_380 = arith.index_cast %scan3A_298 : i32 to index
        %get3A_381 = arith.constant 48 : index
        %get3A_382 = tpu.vector_load %arg10[%get3A_380, %get3A_381] {strides = array<i32>} : memref<49x128xi32, #tpu.memory_space<vmem>>, vector<1x16xi32>,
        %get3A_383 = vector.shape_cast %get3A_382 : vector<1x16xi32> to vector<16xi32>
        %select_n3A_384 = arith.select %lt3A_375, %get3A_379, %get3A_383 : vector<16xi1>, vector<16xi32>
        %swap3A_385 = arith.index_cast %add3A_369 : i32 to index
        %swap3A_386 = tpu.vector_load %arg7[%swap3A_385] {strides = array<i32>} : memref<6272xi32, #tpu.memory_space<vmem>>, vector<16xi32>,
        %swap3A_387 = vector.shape_cast %swap3A_386 : vector<16xi32> to vector<16xi32>
        %swap3A_388 = vector.shape_cast %select_n3A_384 : vector<16xi32> to vector<16xi32>
        tpu.vector_store %arg7[%swap3A_385], %swap3A_388 {strides = array<i32>} : memref<6272xi32, #tpu.memory_space<vmem>>, vector<16xi32>,
        %mul3A_389 = arith.constant 128 : i32
        %mul3A_390 = arith.muli %scan3A_298, %mul3A_389 : i32
        %add3A_391 = arith.constant 64 : i32
        %add3A_392 = arith.addi %mul3A_390, %add3A_391 : i32
        %get3A_393 = arith.index_cast %add3A_392 : i32 to index
        %get3A_394 = tpu.vector_load %arg7[%get3A_393] {strides = array<i32>} : memref<6272xi32, #tpu.memory_space<vmem>>, vector<16xi32>,
        %get3A_395 = vector.shape_cast %get3A_394 : vector<16xi32> to vector<16xi32>
        %lt3A_396 = arith.constant 1048576 : i32
        %lt3A_397 = vector.broadcast %lt3A_396 : i32 to vector<16xi32>
        %lt3A_398 = arith.cmpi slt, %get3A_395, %lt3A_397 : vector<16xi32>
        %get3A_399 = arith.index_cast %scan3A_298 : i32 to index
        %get3A_400 = arith.constant 64 : index
        %get3A_401 = tpu.vector_load %arg9[%get3A_399, %get3A_400] {strides = array<i32>} : memref<49x128xi32, #tpu.memory_space<vmem>>, vector<1x16xi32>,
        %get3A_402 = vector.shape_cast %get3A_401 : vector<1x16xi32> to vector<16xi32>
        %get3A_403 = arith.index_cast %scan3A_298 : i32 to index
        %get3A_404 = arith.constant 64 : index
        %get3A_405 = tpu.vector_load %arg10[%get3A_403, %get3A_404] {strides = array<i32>} : memref<49x128xi32, #tpu.memory_space<vmem>>, vector<1x16xi32>,
        %get3A_406 = vector.shape_cast %get3A_405 : vector<1x16xi32> to vector<16xi32>
        %select_n3A_407 = arith.select %lt3A_398, %get3A_402, %get3A_406 : vector<16xi1>, vector<16xi32>
        %swap3A_408 = arith.index_cast %add3A_392 : i32 to index
        %swap3A_409 = tpu.vector_load %arg7[%swap3A_408] {strides = array<i32>} : memref<6272xi32, #tpu.memory_space<vmem>>, vector<16xi32>,
        %swap3A_410 = vector.shape_cast %swap3A_409 : vector<16xi32> to vector<16xi32>
        %swap3A_411 = vector.shape_cast %select_n3A_407 : vector<16xi32> to vector<16xi32>
        tpu.vector_store %arg7[%swap3A_408], %swap3A_411 {strides = array<i32>} : memref<6272xi32, #tpu.memory_space<vmem>>, vector<16xi32>,
        %mul3A_412 = arith.constant 128 : i32
        %mul3A_413 = arith.muli %scan3A_298, %mul3A_412 : i32
        %add3A_414 = arith.constant 80 : i32
        %add3A_415 = arith.addi %mul3A_413, %add3A_414 : i32
        %get3A_416 = arith.index_cast %add3A_415 : i32 to index
        %get3A_417 = tpu.vector_load %arg7[%get3A_416] {strides = array<i32>} : memref<6272xi32, #tpu.memory_space<vmem>>, vector<16xi32>,
        %get3A_418 = vector.shape_cast %get3A_417 : vector<16xi32> to vector<16xi32>
        %lt3A_419 = arith.constant 1048576 : i32
        %lt3A_420 = vector.broadcast %lt3A_419 : i32 to vector<16xi32>
        %lt3A_421 = arith.cmpi slt, %get3A_418, %lt3A_420 : vector<16xi32>
        %get3A_422 = arith.index_cast %scan3A_298 : i32 to index
        %get3A_423 = arith.constant 80 : index
        %get3A_424 = tpu.vector_load %arg9[%get3A_422, %get3A_423] {strides = array<i32>} : memref<49x128xi32, #tpu.memory_space<vmem>>, vector<1x16xi32>,
        %get3A_425 = vector.shape_cast %get3A_424 : vector<1x16xi32> to vector<16xi32>
        %get3A_426 = arith.index_cast %scan3A_298 : i32 to index
        %get3A_427 = arith.constant 80 : index
        %get3A_428 = tpu.vector_load %arg10[%get3A_426, %get3A_427] {strides = array<i32>} : memref<49x128xi32, #tpu.memory_space<vmem>>, vector<1x16xi32>,
        %get3A_429 = vector.shape_cast %get3A_428 : vector<1x16xi32> to vector<16xi32>
        %select_n3A_430 = arith.select %lt3A_421, %get3A_425, %get3A_429 : vector<16xi1>, vector<16xi32>
        %swap3A_431 = arith.index_cast %add3A_415 : i32 to index
        %swap3A_432 = tpu.vector_load %arg7[%swap3A_431] {strides = array<i32>} : memref<6272xi32, #tpu.memory_space<vmem>>, vector<16xi32>,
        %swap3A_433 = vector.shape_cast %swap3A_432 : vector<16xi32> to vector<16xi32>
        %swap3A_434 = vector.shape_cast %select_n3A_430 : vector<16xi32> to vector<16xi32>
        tpu.vector_store %arg7[%swap3A_431], %swap3A_434 {strides = array<i32>} : memref<6272xi32, #tpu.memory_space<vmem>>, vector<16xi32>,
        %mul3A_435 = arith.constant 128 : i32
        %mul3A_436 = arith.muli %scan3A_298, %mul3A_435 : i32
        %add3A_437 = arith.constant 96 : i32
        %add3A_438 = arith.addi %mul3A_436, %add3A_437 : i32
        %get3A_439 = arith.index_cast %add3A_438 : i32 to index
        %get3A_440 = tpu.vector_load %arg7[%get3A_439] {strides = array<i32>} : memref<6272xi32, #tpu.memory_space<vmem>>, vector<16xi32>,
        %get3A_441 = vector.shape_cast %get3A_440 : vector<16xi32> to vector<16xi32>
        %lt3A_442 = arith.constant 1048576 : i32
        %lt3A_443 = vector.broadcast %lt3A_442 : i32 to vector<16xi32>
        %lt3A_444 = arith.cmpi slt, %get3A_441, %lt3A_443 : vector<16xi32>
        %get3A_445 = arith.index_cast %scan3A_298 : i32 to index
        %get3A_446 = arith.constant 96 : index
        %get3A_447 = tpu.vector_load %arg9[%get3A_445, %get3A_446] {strides = array<i32>} : memref<49x128xi32, #tpu.memory_space<vmem>>, vector<1x16xi32>,
        %get3A_448 = vector.shape_cast %get3A_447 : vector<1x16xi32> to vector<16xi32>
        %get3A_449 = arith.index_cast %scan3A_298 : i32 to index
        %get3A_450 = arith.constant 96 : index
        %get3A_451 = tpu.vector_load %arg10[%get3A_449, %get3A_450] {strides = array<i32>} : memref<49x128xi32, #tpu.memory_space<vmem>>, vector<1x16xi32>,
        %get3A_452 = vector.shape_cast %get3A_451 : vector<1x16xi32> to vector<16xi32>
        %select_n3A_453 = arith.select %lt3A_444, %get3A_448, %get3A_452 : vector<16xi1>, vector<16xi32>
        %swap3A_454 = arith.index_cast %add3A_438 : i32 to index
        %swap3A_455 = tpu.vector_load %arg7[%swap3A_454] {strides = array<i32>} : memref<6272xi32, #tpu.memory_space<vmem>>, vector<16xi32>,
        %swap3A_456 = vector.shape_cast %swap3A_455 : vector<16xi32> to vector<16xi32>
        %swap3A_457 = vector.shape_cast %select_n3A_453 : vector<16xi32> to vector<16xi32>
        tpu.vector_store %arg7[%swap3A_454], %swap3A_457 {strides = array<i32>} : memref<6272xi32, #tpu.memory_space<vmem>>, vector<16xi32>,
        %mul3A_458 = arith.constant 128 : i32
        %mul3A_459 = arith.muli %scan3A_298, %mul3A_458 : i32
        %add3A_460 = arith.constant 112 : i32
        %add3A_461 = arith.addi %mul3A_459, %add3A_460 : i32
        %get3A_462 = arith.index_cast %add3A_461 : i32 to index
        %get3A_463 = tpu.vector_load %arg7[%get3A_462] {strides = array<i32>} : memref<6272xi32, #tpu.memory_space<vmem>>, vector<16xi32>,
        %get3A_464 = vector.shape_cast %get3A_463 : vector<16xi32> to vector<16xi32>
        %lt3A_465 = arith.constant 1048576 : i32
        %lt3A_466 = vector.broadcast %lt3A_465 : i32 to vector<16xi32>
        %lt3A_467 = arith.cmpi slt, %get3A_464, %lt3A_466 : vector<16xi32>
        %get3A_468 = arith.index_cast %scan3A_298 : i32 to index
        %get3A_469 = arith.constant 112 : index
        %get3A_470 = tpu.vector_load %arg9[%get3A_468, %get3A_469] {strides = array<i32>} : memref<49x128xi32, #tpu.memory_space<vmem>>, vector<1x16xi32>,
        %get3A_471 = vector.shape_cast %get3A_470 : vector<1x16xi32> to vector<16xi32>
        %get3A_472 = arith.index_cast %scan3A_298 : i32 to index
        %get3A_473 = arith.constant 112 : index
        %get3A_474 = tpu.vector_load %arg10[%get3A_472, %get3A_473] {strides = array<i32>} : memref<49x128xi32, #tpu.memory_space<vmem>>, vector<1x16xi32>,
        %get3A_475 = vector.shape_cast %get3A_474 : vector<1x16xi32> to vector<16xi32>
        %select_n3A_476 = arith.select %lt3A_467, %get3A_471, %get3A_475 : vector<16xi1>, vector<16xi32>
        %swap3A_477 = arith.index_cast %add3A_461 : i32 to index
        %swap3A_478 = tpu.vector_load %arg7[%swap3A_477] {strides = array<i32>} : memref<6272xi32, #tpu.memory_space<vmem>>, vector<16xi32>,
        %swap3A_479 = vector.shape_cast %swap3A_478 : vector<16xi32> to vector<16xi32>
        %swap3A_480 = vector.shape_cast %select_n3A_476 : vector<16xi32> to vector<16xi32>
        tpu.vector_store %arg7[%swap3A_477], %swap3A_480 {strides = array<i32>} : memref<6272xi32, #tpu.memory_space<vmem>>, vector<16xi32>,
      }
      %scan3A_291 = arith.constant 49 : i32
      %eq3A = arith.constant 15 : i32
      %eq3A_292 = arith.cmpi eq, %arg1, %eq3A : i32
      %convert_element_type3A = arith.extui %eq3A_292 : i1 to i32
      %cond3A = arith.constant 0 : i32
      %cond3A_293 = arith.cmpi ne, %convert_element_type3A, %cond3A : i32
      scf.if %cond3A_293 {
        "tpu.region"() ({
          %run_scoped3A = tpu.sem_alloc : memref<!tpu.dma_semaphore, #tpu.memory_space<semaphore_mem>>
          %dma_start3A = arith.constant 0 : i32
          %dma_start3A_298 = tpu.memref_slice %arg7[%dma_start3A] : memref<6272xi32, #tpu.memory_space<vmem>> -> memref<5920xi32, #tpu.memory_space<vmem>>
          %dma_start3A_299 = tpu.memref_slice %arg5[%multiple_of3A] : memref<1600352xi32, #tpu.memory_space<hbm>> -> memref<5920xi32, #tpu.memory_space<hbm>>
          %dma_start3A_300 = tpu.memref_slice %arg5[%multiple_of3A] : memref<1600352xi32, #tpu.memory_space<hbm>> -> memref<5920xi32, #tpu.memory_space<hbm>>
          %dma_start3A_301 = arith.constant 0 : i32
          %dma_start3A_302 = tpu.memref_slice %arg7[%dma_start3A_301] : memref<6272xi32, #tpu.memory_space<vmem>> -> memref<5920xi32, #tpu.memory_space<vmem>>
          tpu.enqueue_dma source(%dma_start3A_302 : memref<5920xi32, #tpu.memory_space<vmem>>) target(%dma_start3A_300 : memref<5920xi32, #tpu.memory_space<hbm>>) target_semaphore(%run_scoped3A : memref<!tpu.dma_semaphore, #tpu.memory_space<semaphore_mem>>)
          %dma_wait3A = arith.constant 0 : i32
          %dma_wait3A_303 = tpu.memref_slice %arg7[%dma_wait3A] : memref<6272xi32, #tpu.memory_space<vmem>> -> memref<5920xi32, #tpu.memory_space<vmem>>
          %dma_wait3A_304 = tpu.memref_slice %arg5[%multiple_of3A] : memref<1600352xi32, #tpu.memory_space<hbm>> -> memref<5920xi32, #tpu.memory_space<hbm>>
          %dma_wait3A_305 = tpu.memref_slice %arg5[%multiple_of3A] : memref<1600352xi32, #tpu.memory_space<hbm>> -> memref<5920xi32, #tpu.memory_space<hbm>>
          %dma_wait3A_306 = arith.constant 0 : i32
          %dma_wait3A_307 = tpu.memref_slice %arg7[%dma_wait3A_306] : memref<6272xi32, #tpu.memory_space<vmem>> -> memref<5920xi32, #tpu.memory_space<vmem>>
          tpu.wait_dma2 semaphore(%run_scoped3A : memref<!tpu.dma_semaphore, #tpu.memory_space<semaphore_mem>>) src(%dma_wait3A_307 : memref<5920xi32, #tpu.memory_space<vmem>>) dst(%dma_wait3A_305 : memref<5920xi32, #tpu.memory_space<hbm>>)
          tpu.yield
        }) : () -> ()
      } else {
      }
      %ne3A = arith.constant 15 : i32
      %ne3A_294 = arith.cmpi ne, %arg1, %ne3A : i32
      %convert_element_type3A_295 = arith.extui %ne3A_294 : i1 to i32
      %cond3A_296 = arith.constant 0 : i32
      %cond3A_297 = arith.cmpi ne, %convert_element_type3A_295, %cond3A_296 : i32
      scf.if %cond3A_297 {
        "tpu.region"() ({
          %run_scoped3A = tpu.sem_alloc : memref<!tpu.dma_semaphore, #tpu.memory_space<semaphore_mem>>
          %dma_start3A = tpu.memref_slice %arg5[%multiple_of3A] : memref<1600352xi32, #tpu.memory_space<hbm>> -> memref<6272xi32, #tpu.memory_space<hbm>>
          %dma_start3A_298 = tpu.memref_slice %arg5[%multiple_of3A] : memref<1600352xi32, #tpu.memory_space<hbm>> -> memref<6272xi32, #tpu.memory_space<hbm>>
          tpu.enqueue_dma source(%arg7 : memref<6272xi32, #tpu.memory_space<vmem>>) target(%dma_start3A_298 : memref<6272xi32, #tpu.memory_space<hbm>>) target_semaphore(%run_scoped3A : memref<!tpu.dma_semaphore, #tpu.memory_space<semaphore_mem>>)
          %dma_wait3A = tpu.memref_slice %arg5[%multiple_of3A] : memref<1600352xi32, #tpu.memory_space<hbm>> -> memref<6272xi32, #tpu.memory_space<hbm>>
          %dma_wait3A_299 = tpu.memref_slice %arg5[%multiple_of3A] : memref<1600352xi32, #tpu.memory_space<hbm>> -> memref<6272xi32, #tpu.memory_space<hbm>>
          tpu.wait_dma2 semaphore(%run_scoped3A : memref<!tpu.dma_semaphore, #tpu.memory_space<semaphore_mem>>) src(%arg7 : memref<6272xi32, #tpu.memory_space<vmem>>) dst(%dma_wait3A_299 : memref<6272xi32, #tpu.memory_space<hbm>>)
          tpu.yield
        }) : () -> ()
      } else {
      }
    }
    %scan3A_56 = arith.constant 8 : i32
    return
  }
}

</mosaic_0001>

<sc_bundles>
// kernel: kernel.3.cloned.1.call-start
scs
__scs_entry_jumppad:
0x0: {  	(pc) =	sbr.rel $0x88, $3  }
0x1: {  	(tag) =	ssettag $0x0;
	lr =	simm.s32 $0x1  }
0x2: {  	[smem:$0x3FA0] =	sst lr;
	_ =	strace $0xD0000000  }
0x3: {  	_ = 	snop  }
0x4: {  	_ = 	snop  }
0x5: {  	_ = 	snop  }
0x6: {  	_ = 	snop  }
0x7: {  	_ = 	snop  }
__scs_overlays_trampoline_lowered:
0x8: {  	[smem:$0x3FAF] =	sst s0  }
0x9: {  	[smem:$0x3FB0] =	sst s1  }
0xa: {  	[smem:$0x3FB1] =	sst s2  }
0xb: {  	[smem:$0x3FB2] =	sst s3  }
0xc: {  	[smem:$0x3FB3] =	sst s4  }
0xd: {  	[smem:$0x3FB4] =	sst s5  }
0xe: {  	[smem:$0x3FB5] =	sst s6  }
0xf: {  	[smem:$0x3FB6] =	sst s7  }
0x10: {  	[smem:$0x3FB7] =	sst s8  }
0x11: {  	[smem:$0x3FB8] =	sst s9;
	s0 =	simm.s32 @!p0 $0x0  }
0x12: {  	s1 =	sld [smem:$0x3F9E];
	s0 =	simm.s32 @p0 $0x1  }
0x13: {  	[smem:$0x3FB9] =	sst s0;
	s0 =	simm.s32 @!p1 $0x0  }
0x14: {  	s2 =	sld [smem:$0x3F9D];
	s0 =	simm.s32 @p1 $0x1  }
0x15: {  	[smem:$0x3FBA] =	sst s0;
	s0 =	simm.s32 @!p2 $0x0  }
0x16: {  	s3 =	sld [smem:$0x3FDB];
	s0 =	simm.s32 @p2 $0x1  }
0x17: {  	s4 =	simm.s32 $0x1BF5;
	[smem:$0x3FBC] =	sst s0  }
0x18: {  	s0 =	sld [smem:$0x3F9F];
	_ =	swait.ge [sflag:s4], $0x0  }
0x19: {  	s7 =	sld [smem:$0x3FA0]  }
0x1a: {  	s8 =	sadd.s32 $0xFFFFE003, lr  }
0x1b: {  	s9 =	sadd.s32 $0xFFFFFEF7, lr;
	s5 =	simm.s32 $0xFFFFFFFF;
	p2 =	slt.u32 s8, $0xFFFFF086  }
0x1c: {  	p1 =	slt.u32 s9, $0xF7A;
	s5 =	simm.s32 @!p2 $0x0  }
0x1d: {  	s5 =	simm.s32 @p1 $0x1;
	p0 =	seq.s32 s7, s2  }
0x1e: {  	s7 =	smul.u32 @!p0 $0xF7A, s2;
	p2 =	seq.s32 @!p0 s5, $0x0  }
0x1f: {  	s9 =	smul.u32 $0xF7A, s1;
	s8 =	simm.s32 @!p0 $0x1BF5;
	p2 =	por !p2, p0  }
0x20: {  	[sflag:s8] =	ssyncset.s32 @!p0 $0xFFFFF086;
	s6 =	sadd.s32 @!p0 s3, s7;
	s7 =	simm.s32 @!p0 $0x108  }
0x21: {  	s3 =	sadd.s32 s3, s9;
	s6 =	sadd.s32 @!p0 $0x88, s6;
	s7 =	simm.s32 @p2 $0x1082  }
0x22: {  	[simem:s7], [sflag:s8] =	dma.local @!p0 [hbm:s6], $0xF7A  }
0x23: {  	s9 =	sor.u32 $0xD0000000, s2;
	s6 =	simm.s32 $0x108;
	_ =	swait.ge @!p0 [sflag:s8], $0x0  }
0x24: {  	s3 =	sadd.s32 $0x88, s3;
	s6 =	simm.s32 @!p1 $0x1082;
	[sflag:s4] =	ssyncset.s32 $0xFFFFF086  }
0x25: {  	[simem:s6], [sflag:s4] =	dma.local [hbm:s3], $0xF7A  }
0x26: {  	[smem:$0x3FA0] =	sst s1;
	(tag) =	ssettag s2;
	_ =	strace s9  }
0x27: {  	s1 =	sld [smem:$0x3FB0]  }
0x28: {  	s2 =	sld [smem:$0x3FB1]  }
0x29: {  	s4 =	sld [smem:$0x3FB3]  }
0x2a: {  	p0 =	seq.s32 s5, $0x0;
	s5 =	sld [smem:$0x3FB4]  }
0x2b: {  	s6 =	sld [smem:$0x3FB5]  }
0x2c: {  	s7 =	sld [smem:$0x3FB6]  }
0x2d: {  	s3 =	simm.s32 $0x108;
	s8 =	sld [smem:$0x3FB7]  }
0x2e: {  	s3 =	simm.s32 @!p0 $0x1082;
	s9 =	sld [smem:$0x3FB8]  }
0x2f: {  	lr =	sadd.s32 s0, s3;
	s0 =	sld [smem:$0x3FAF]  }
0x30: {  	s3 =	sld [smem:$0x3FB2]  }
0x31: {  	[smem:$0x3FBB] =	sst s10  }
0x32: {  	s10 =	sld [smem:$0x3FB9];
	_ =	sdelay $0x3  }
0x33: {  	p0 =	seq.s32 s10, $0x1;
	s10 =	sld [smem:$0x3FBB];
	_ =	sdelay $0x3  }
0x34: {  	[smem:$0x3FBB] =	sst s10  }
0x35: {  	s10 =	sld [smem:$0x3FBA];
	_ =	sdelay $0x3  }
0x36: {  	p1 =	seq.s32 s10, $0x1;
	s10 =	sld [smem:$0x3FBB];
	_ =	sdelay $0x3  }
0x37: {  	[smem:$0x3FBB] =	sst s10  }
0x38: {  	s10 =	sld [smem:$0x3FBC]  }
0x39: {  	_ = 	snop;
	(pc) =	sbr.ind lr, $3  }
0x3a: {  	_ = 	snop  }
0x3b: {  	_ = 	snop  }
0x3c: {  	p2 =	seq.s32 s10, $0x1;
	s10 =	sld [smem:$0x3FBB]  }
0x3d: {  	_ =	shalt  }
0x3e: {  	_ =	shalt  }
0x3f: {  	_ =	shalt  }
0x40: {  	_ =	shalt  }
0x41: {  	_ =	shalt  }
0x42: {  	_ =	shalt  }
0x43: {  	_ =	shalt  }
0x44: {  	_ =	shalt  }
0x45: {  	_ =	shalt  }
0x46: {  	_ =	shalt  }
0x47: {  	_ =	shalt  }
0x48: {  	_ =	shalt  }
0x49: {  	_ =	shalt  }
0x4a: {  	_ =	shalt  }
0x4b: {  	_ =	shalt  }
0x4c: {  	_ =	shalt  }
0x4d: {  	_ =	shalt  }
0x4e: {  	_ =	shalt  }
0x4f: {  	_ =	shalt  }
0x50: {  	_ =	shalt  }
0x51: {  	_ =	shalt  }
0x52: {  	_ =	shalt  }
0x53: {  	_ =	shalt  }
0x54: {  	_ =	shalt  }
0x55: {  	_ =	shalt  }
0x56: {  	_ =	shalt  }
0x57: {  	_ =	shalt  }
0x58: {  	_ =	shalt  }
0x59: {  	_ =	shalt  }
0x5a: {  	_ =	shalt  }
0x5b: {  	_ =	shalt  }
0x5c: {  	_ =	shalt  }
0x5d: {  	_ =	shalt  }
0x5e: {  	_ =	shalt  }
0x5f: {  	_ =	shalt  }
0x60: {  	_ =	shalt  }
0x61: {  	_ =	shalt  }
0x62: {  	_ =	shalt  }
0x63: {  	_ =	shalt  }
0x64: {  	_ =	shalt  }
0x65: {  	_ =	shalt  }
0x66: {  	_ =	shalt  }
0x67: {  	_ =	shalt  }
0x68: {  	_ =	shalt  }
0x69: {  	_ =	shalt  }
0x6a: {  	_ =	shalt  }
0x6b: {  	_ =	shalt  }
0x6c: {  	_ =	shalt  }
0x6d: {  	_ =	shalt  }
0x6e: {  	_ =	shalt  }
0x6f: {  	_ =	shalt  }
0x70: {  	_ =	shalt  }
0x71: {  	_ =	shalt  }
0x72: {  	_ =	shalt  }
0x73: {  	_ =	shalt  }
0x74: {  	_ =	shalt  }
0x75: {  	_ =	shalt  }
0x76: {  	_ =	shalt  }
0x77: {  	_ =	shalt  }
0x78: {  	_ =	shalt  }
0x79: {  	_ =	shalt  }
0x7a: {  	_ =	shalt  }
0x7b: {  	_ =	shalt  }
0x7c: {  	_ =	shalt  }
0x7d: {  	_ =	shalt  }
0x7e: {  	_ =	shalt  }
0x7f: {  	_ =	shalt  }
0x80: {  	_ =	shalt  }
0x81: {  	_ =	shalt  }
0x82: {  	_ =	shalt  }
0x83: {  	_ =	shalt  }
0x84: {  	_ =	shalt  }
0x85: {  	_ =	shalt  }
0x86: {  	_ =	shalt  }
0x87: {  	_ =	shalt  }
.Lfunc_end0:
.L_simem_size_0:
called_computation_lowered:
.L_overlay_start_0:
0x88: {  	s2 =	sld [smem:$0x3FD9]  }
0x89: {  	s3 =	sld [smem:$0x3FFE];
	_ =	sdelay $0x1  }
0x8a: {  	s1 =	srdreg.scid  }
0x8b: {  	s0 =	sand.u32 $0x1, s1  }
0x8c: {  	s14 =	sshll.u32 s0, $0xA;
	s2 =	sadd.s32 s3, s2  }
0x8d: {  	s2 =	sadd.s32 s2, s14  }
0x8e: {  	[smem:$0x3FC7] =	sst s2  }
0x8f: {  	_ = 	snop  }
0x90: {  	s2 =	sld [smem:$0x3FD0];
	_ =	sdelay $0x2  }
0x91: {  	s15 =	simm.s32 $0xA;
	s4 =	simm.s32 $0x10  }
0x92: {  	[smem:s4], [sflag:s15] =	dma.local [hbm:s2], $0x1  }
0x93: {  	_ =	swait.eq [sflag:s15], $0x1  }
0x94: {  	[sflag:s15] =	ssyncset.done $0x0  }
0x95: {  	s16 =	sld [smem:$0x10];
	[sflag:s15] =	ssyncadd.s32 $0xFFFFFFFF  }
0x96: {  	s17 =	sld [smem:$0x12];
	(tm) =	ssettm $0x1  }
0x97: {  	s18 =	sld [smem:$0x3FFB];
	_ =	sdelay $0x3  }
0x98: {  	_ =	strace s18  }
0x99: {  	s4 =	sld [smem:$0x3FFC];
	_ =	sdelay $0x3  }
0x9a: {  	_ =	strace s4  }
0x9b: {  	s4 =	sld [smem:$0x3FFD];
	_ =	sdelay $0x3  }
0x9c: {  	_ =	strace s4  }
0x9d: {  	_ =	strace $0x8FFFFFFF  }
0x9e: {  	s19 =	sld [smem:$0x3FDB];
	_ =	sdelay $0x1  }
0x9f: {  	s5 =	simm.s32 $_scs_section_size  }
0xa0: {  	s6 =	simm.s32 $_size__tile_overlayer_lowered;
	s7 =	simm.s32 $_tile_overlayer_lowered  }
0xa1: {  	s22 =	simm.s32 $0x1BFF;
	s21 =	sshll.u32 s7, $0x1;
	s4 =	sadd.s32 s5, s19  }
0xa2: {  	s8 =	simm.s32 $0x0;
	s20 =	sshll.u32 s6, $0x1;
	s6 =	sadd.s32 s21, s4  }
0xa3: {  	[timem:s8], [sflag:s22] =	dma.local [hbm:s6], s20  }
0xa4: {  	_ =	swait.ge [sflag:s22], s20  }
0xa5: {  	s5 =	ssub.s32 $0x0, s20;
	[sflag:s22] =	ssyncset.done $0x0  }
0xa6: {  	[sflag:s22] =	ssyncadd.s32 s5;
	_ =	sdelay $0x1  }
0xa7: {  	s23 =	simm.s32 $0x1B8B  }
0xa8: {  	_ =	swait.ge [sflag:s23], $0x1  }
0xa9: {  	[sflag:s23] =	ssyncset.done $0x0  }
0xaa: {  	s25 =	simm.s32 $0x1B8E;
	s24 =	sld [smem:$0x3FFE];
	[sflag:s23] =	ssyncadd.s32 $0xFFFFFFFF  }
0xab: {  	s26 =	simm.s32 $execute0_lowered;
	[smem:$0x3FD2] =	sst s25  }
0xac: {  	s6 =	sshll.u32 s26, $0x1;
	_ =	strace $0x80000046;
	[dreg:$0x1] =	wrdreg $0xFFFFFFFF  }
0xad: {  	s28 =	simm.s32 $_size_execute0_lowered;
	s4 =	sadd.s32 s4, s6;
	[dreg:$0x0] =	wrdreg $0x0  }
0xae: {  	s6 =	sshll.u32 s28, $0x1;
	[dreg:$0x2] =	wrdreg s4  }
0xaf: {  	[dreg:$0x3] =	wrdreg s6  }
0xb0: {  	[dreg:$0x4] =	wrdreg $0xC0  }
0xb1: {  	_ =	task [dreg:s8], $0x5FFFF  }
0xb2: {  	[dreg:$0x1] =	wrdreg $0xFFFFFFFF  }
0xb3: {  	[dreg:$0x0] =	wrdreg $0x60  }
0xb4: {  	[dreg:$0x2] =	wrdreg s16  }
0xb5: {  	[dreg:$0x3] =	wrdreg s24  }
0xb6: {  	[dreg:$0x4] =	wrdreg s17  }
0xb7: {  	[dreg:$0x5] =	wrdreg $0xD6800  }
0xb8: {  	[dreg:$0x6] =	wrdreg $0x9  }
0xb9: {  	_ =	task.clear_ibuf [dreg:s8], $0x7FFFF;
	_ =	strace $0x90000046  }
0xba: {  	s29 =	simm.s32 $0x9;
	_ =	strace $0x80000048  }
0xbb: {  	_ =	swait.ge [sflag:s29], $0x1  }
0xbc: {  	[sflag:s29] =	ssyncadd.s32 $0xFFFFFFFF  }
0xbd: {  	_ =	strace $0x90000048  }
0xbe: {  	_ =	sfence  }
0xbf: {  	s30 =	sld [smem:$0x0];
	_ =	sdelay $0x2  }
0xc0: {  	s31 =	sshll.u32 s1, $0xD;
	s1 =	sshrl.u32 s1, $0x2  }
0xc1: {  	s3 =	sand.u32 $0x4000, s31;
	s1 =	sadd.s32 s1, s30  }
0xc2: {  	s0 =	sor.u32 s3, s0;
	s1 =	sshll.u32 s1, $0x11  }
0xc3: {  	s0 =	sor.u32 s1, s0  }
0xc4: {  	s0 =	sadd.s32 $0x8F2B, s0  }
0xc5: {  	[sflag:s0] =	ssyncadd.remote.s32 $0x1  }
0xc6: {  	_ =	sfence.sel $0xFFFF  }
0xc7: {  	[dreg:$0x0] =	wrdreg $0xFFFFFFFF;
	(pc) =	sbr.abs _section_cstart, $3  }
0xc8: {  	[dreg:$0x1] =	wrdreg $0xFFFFFFFF  }
0xc9: {  	_ =	task.clear_ibuf [dreg:s8], $0x2FFFF;
	_ =	strace $0x9FFFFFFF  }
0xca: {  	(tm) =	ssettm $0x7FFFFFFF  }
0xcb: {  	_ =	shalt  }
tec
execute0_lowered:
.L_overlay_start_1:
0x0: {  	(tag) =	ssettag $0x1  }
0x1: {  	s2 =	stileid.u32  }
0x2: {  	v1 =	vimm.f32 $1.000000010e-01;
	v0 =	vlaneseq.u32;
	v2 =	vimm.s32 $0x52000000;
	s6 =	smul.u32 $0x1880, s2  }
0x3: {  	v4 =	vimm.s32 $0xFFFC9630;
	v3 =	vmul.u32 $0xFFFFFFFF, v0;
	v5 =	vunpack.c.l.s4.s8 v2  }
0x4: {  	vm4 =	vcmask $0x1F00;
	vm3 =	vcmask $0x2F20;
	v4 =	vunpack.c.l.s4.s8 v4;
	s1 =	ssub.s32 $0x186A0, s6  }
0x5: {  	v5 =	vunpack.c.0.s8.s32 v5;
	v2 =	vadd.s32 s1, v3;
	v3 =	vimm.s32 $0xF0E0B08  }
0x6: {  	vm5 =	vcmask $0x2B00;
	v6 =	vunpack.c.0.s8.s32 v4;
	v7 =	vunpack.c.0.s8.s32 v3  }
0x7: {  	v9 =	vimm.s32 $0x10A0704;
	v10 =	vimm.s32 $0xFFFDA741;
	v8 =	vnsel vm4, $0xF, v5  }
0x8: {  	v5 =	vnsel vm4, $0xF, v6;
	v6 =	vsel vm3, v7, v8;
	v8 =	vimm.s32 $0x63000000  }
0x9: {  	s0 =	rddreg [dreg:$0x1];
	vm6 =	vcmask $0x3B2C;
	v11 =	vimm.s32 $0xF0F0C09;
	v8 =	vunpack.c.l.s4.s8 v8  }
0xa: {  	s3 =	rddreg [dreg:$0x2];
	s5 =	simm.s32 $0x0;
	v9 =	vunpack.c.0.s8.s32 v9;
	v10 =	vunpack.c.l.s4.s8 v10;
	v7 =	vimm.s32 $0xD  }
0xb: {  	vm0 =	vcmask $0x2B18;
	[smem:$0x7FF] =	sst s5;
	v7 =	vsel vm5, $0x0, v7;
	v8 =	vunpack.c.0.s8.s32 v8  }
0xc: {  	s4 =	rddreg [dreg:$0x3];
	_ =	strace $0x80000047;
	v7 =	vsel vm6, v9, v7;
	v9 =	vunpack.c.0.s8.s32 v10;
	v10 =	vunpack.c.0.s8.s32 v11  }
0xd: {  	v12 =	vimm.s32 $0x20B0805;
	(erf) = vrcp.f32 v1;
	v11 =	vnsel vm4, $0xF, v8  }
0xe: {  	s30 =	srdreg.scid;
	s20 =	simm.s32 $0x2;
	v8 =	vnsel vm4, $0xF, v9;
	v9 =	vsel vm3, v10, v11;
	v10 =	vimm.s32 $0x74100000  }
0xf: {  	vm1 =	vmmov $0x3f;
	v13 =	vimm.s32 $0xFFFEB852;
	s21 =	simm.s32 $0x4980;
	s22 =	simm.s32 $0xB680;
	s8 =	smul.u32 $0x40020, s2;
	v10 =	vunpack.c.l.s4.s8 v10  }
0x10: {  	v15 =	vimm.s32 $0xF0F0D0A;
	s23 =	simm.s32 $0x80;
	s24 =	simm.s32 $0xB600;
	s26 =	simm.s32 $0x0;
	v12 =	vunpack.c.0.s8.s32 v12;
	v11 =	vimm.s32 $0xE  }
0x11: {  	s7 =	sadd.s32 $0xE00, s0;
	v13 =	vunpack.c.l.s4.s8 v13;
	p0 =	sne.s32 s2, $0xF;
	s9 =	sshrl.u32 s8, $0x2;
	v11 =	vsel vm5, $0x0, v11;
	v14 =	vunpack.c.0.s8.s32 v10  }
0x12: {  	s8 =	sadd.s32 $0x93800, s0;
	v1 =	vmov s1;
	s1 =	sand.u32 $0x1, s30;
	s9 =	sadd.s32 s9, s4;
	v10 =	vsel vm6, v12, v11;
	v11 =	vunpack.c.0.s8.s32 v15  }
0x13: {  	vm2 =	vcmask $0x2B14;
	s10 =	ssub.s32 $0x2, s1;
	s11 =	sadd.s32 $0x10000, s9;
	s13 =	sadd.s32 $0x2000, s9;
	v12 =	vunpack.c.0.s8.s32 v13;
	v13 =	vnsel vm4, $0xF, v14  }
0x14: {  	s14 =	sadd.s32 $0x4000, s9;
	s15 =	sadd.s32 $0x6000, s9;
	s31 =	sshrl.u32 s10, $0x1;
	v14 =	vimm.s32 $0x30C0906;
	v11 =	vsel vm3, v11, v13;
	v13 =	vimm.s32 $0xF  }
0x15: {  	v4 =	vimm.s32 $0x1;
	v3 =	vimm.s32 $0x0;
	s16 =	sadd.s32 $0x8000, s9;
	s17 =	sadd.s32 $0xA000, s9;
	s0 =	ssub.s32 s10, s31;
	v14 =	vunpack.c.0.s8.s32 v14  }
0x16: {  	s18 =	sadd.s32 $0xC000, s9;
	s19 =	sadd.s32 $0xE000, s9;
	s0 =	smax.u32 s0, $0x1;
	v12 =	vnsel vm4, $0xF, v12;
	vm4 =	vcmask $0x2714;
	v15 =	vsel vm5, $0x0, v13  }
0x17: {  	s10 =	sshll.u32 s1, $0x3;
	s1 =	simm.s32 $0x0;
	[dreg:$0x5] =	wrdreg s0;
	vm3 =	vmmov $0x1f;
	v14 =	vsel vm6, v14, v15;
	v15 =	vor.u32 $0x100000, v0;
	v13 =	vpop (erf)  }
.LBB2_1:
0x18: {  	[dreg:$0x6] =	wrdreg s1;
	s0 =	simm.s32 $0x40;
	s1 =	simm.s32 $0x0  }
.LBB2_2:
0x19: {  	p1 =	sne.s32 s0, $0x7FC0;
	[tilespmem:s1+$0xB680] =	vst v3;
	s1 =	smov.u32 s0;
	s0 =	sadd.s32 $0x40, s0  }
.Ltmp0:
0x1a: {  	(pc) =	sbr.rel @p1 .LBB2_2-.Ltmp0, $2  }
0x1b: {  	_ =	sdelay $0x2  }
0x1c: {  	s1 =	sshra.s32 s1, $0x2  }
0x1d: {  	[tilespmem:s1+$0xB680] =	vst v3  }
0x1e: {  	[tilespmem:$0xB600] =	vst v4  }
0x1f: {  	[tilespmem:$0xB610] =	vst v4  }
0x20: {  	[tilespmem:$0xB620] =	vst v4  }
0x21: {  	[tilespmem:$0xB630] =	vst v4  }
0x22: {  	[tilespmem:$0xB640] =	vst v4  }
0x23: {  	[tilespmem:$0xB650] =	vst v4  }
0x24: {  	[tilespmem:$0xB660] =	vst v4  }
0x25: {  	s28 =	simm.s32 $0x0;
	[tilespmem:$0xB670] =	vst v4  }
.LBB2_4:
0x26: {  	s0 =	sadd.s32 s10, s28  }
0x27: {  	s0 =	smul.u32 $0x186A0, s0;
	_ =	sdelay $0x1  }
0x28: {  	s0 =	sadd.s32 s6, s0  }
0x29: {  	s1 =	smul.u32 $0x3, s0;
	_ =	sdelay $0x1  }
0x2a: {  	s25 =	rddreg [dreg:$0x0];
	s29 =	sshrl.u32 s1, $0x3  }
0x2b: {  	s1 =	sadd.s32 s25, s29  }
0x2c: {  	[tilespmem:s26], [sflag:$0x2] =	stream.linear.gather [hbm4b:s1+s26], $0x4980, $0x38;
	[tilespmem:$0x1D688] =	vst v63  }
0x2d: {  	_ =	swait.ge [sflag:s20], $0x4980  }
0x2e: {  	[sflag:s20] =	ssyncset.done $0x0  }
0x2f: {  	s1 =	simm.s32 $0x20;
	[sflag:s20] =	ssyncadd.s32 $0xFFFFB680  }
0x30: {  	v16 =	vld [tilespmem:s1+$0xFFFFFFF0]  }
0x31: {  	v18 =	vld [tilespmem:s1+$0xFFFFFFE0]  }
0x32: {  	v17 =	vld [tilespmem:s1+$0x0];
	_ =	sdelay $0x2  }
0x33: {  	v19 =	vmul.f32 v16, v13  }
0x34: {  	v18 =	vmul.f32 v18, v13  }
0x35: {  	v20 =	vmul.f32 v17, v13;
	v16 =	vtrunc.f32 v19  }
0x36: {  	v17 =	vtrunc.f32 v18;
	v21 =	vcvt.f32.s32 v16  }
0x37: {  	v16 =	vtrunc.f32 v20;
	v23 =	vcvt.f32.s32 v17  }
0x38: {  	v22 =	vcvt.f32.s32 v16  }
0x39: {  	v16 =	vcvt.s32.f32 v21;
	v24 =	vcvt.s32.f32 v23  }
0x3a: {  	v17 =	vcvt.s32.f32 v22  }
0x3b: {  	vm5 =	vlt.f32 v19, v16;
	vm7 =	vlt.f32 v18, v24  }
0x3c: {  	vm6 =	vlt.f32 v20, v17;
	v19 =	vsel vm5, $0xFFFFFFFF, v3;
	v20 =	vsel vm7, $0xFFFFFFFF, v3  }
0x3d: {  	v18 =	vsel vm6, $0xFFFFFFFF, v3;
	v19 =	vadd.s32 v19, v21;
	v20 =	vadd.s32 v20, v23  }
0x3e: {  	v21 =	vadd.f32 $-1.000000000e+00, v24;
	v18 =	vadd.s32 v18, v22;
	v19 =	vadd.s32 $0x40, v19  }
0x3f: {  	v20 =	vadd.s32 $0x40, v20;
	v18 =	vadd.s32 $0x40, v18;
	vm8 =	vgt.s32 v19, $0x0  }
0x40: {  	v21 =	vsel vm7, v21, v24;
	vm9 =	vgt.s32 v18, $0x0;
	v19 =	vnsel vm8, $0x0, v19  }
0x41: {  	vm8 =	vgt.s32 v20, $0x0;
	v18 =	vnsel vm9, $0x0, v18;
	v22 =	vmin.u32 v19, $0x7F  }
0x42: {  	v23 =	vmin.u32 v18, $0x7F;
	v19 =	vperm.xlane v22, v6;
	v26 =	vperm.xlane v22, v9  }
0x43: {  	v18 =	vnsel vm8, $0x0, v20;
	v62 =	vperm.xlane v22, v11;
	v20 =	vperm.xlane v23, v7  }
0x44: {  	v25 =	vmin.u32 v18, $0x7F;
	v27 =	vperm.xlane v23, v10;
	v23 =	vperm.xlane v23, v14  }
0x45: {  	v18 =	vadd.f32 $-1.000000000e+00, v16;
	v61 =	vperm.xlane v25, v5;
	v28 =	vperm.xlane v25, v8  }
0x46: {  	v20 =	vsel vm0, v19, v20;
	v26 =	vsel vm2, v26, v27;
	v19 =	vadd.f32 $-1.000000000e+00, v17  }
0x47: {  	v23 =	vsel vm4, v62, v23;
	v22 =	vsel vm1, v61, v20;
	v63 =	vsel vm3, v28, v26  }
0x48: {  	s31 =	simm.s32 $0x40;
	s12 =	simm.s32 $0x20;
	s30 =	simm.s32 $0x0;
	[tilespmem:s1+$0xFFFFFFE0] =	vst v21;
	v20 =	vperm.xlane v25, v12;
	v21 =	vshll.u32 v22, $0xE;
	v22 =	vshll.u32 v63, $0x7  }
.LBB2_5:
0x49: {  	p1 =	sne.s32 s31, $0x61C0  }
0x4a: {  	v16 =	vsel vm5, v18, v16;
	v17 =	vsel vm6, v19, v17;
	s1 =	sadd.s32 $0x30, s1;
	s25 =	smov.u32 s31;
	s31 =	sadd.s32 $0x40, s31  }
0x4b: {  	v18 =	vsel vm3, v20, v23;
	[tilespmem:s12+$0x0] =	vst v17;
	v17 =	vadd.s32 v21, v22  }
0x4c: {  	s2 =	sshra.s32 s30, $0x2;
	s30 =	smov.u32 s25;
	[tilespmem:s12+$0xFFFFFFF0] =	vst v16;
	v16 =	vadd.s32 v18, v17;
	s12 =	smov.u32 s1  }
0x4d: {  	[tilespmem:s2+$0x4980] =	vst v16  }
0x4e: {  	v16 =	vld [tilespmem:s1+$0xFFFFFFF0]  }
0x4f: {  	v17 =	vld [tilespmem:s1+$0x0]  }
0x50: {  	v18 =	vld [tilespmem:s1+$0xFFFFFFE0];
	_ =	sdelay $0x2  }
0x51: {  	v19 =	vmul.f32 v16, v13  }
0x52: {  	v20 =	vmul.f32 v17, v13  }
0x53: {  	v21 =	vmul.f32 v18, v13;
	v16 =	vtrunc.f32 v19  }
0x54: {  	v22 =	vcvt.f32.s32 v16;
	v16 =	vtrunc.f32 v20  }
0x55: {  	v17 =	vtrunc.f32 v21;
	v23 =	vcvt.f32.s32 v16  }
0x56: {  	v24 =	vcvt.f32.s32 v17;
	v16 =	vcvt.s32.f32 v22  }
0x57: {  	v17 =	vcvt.s32.f32 v23  }
0x58: {  	v25 =	vcvt.s32.f32 v24;
	vm5 =	vlt.f32 v19, v16;
	v18 =	vadd.f32 $-1.000000000e+00, v16  }
0x59: {  	v26 =	vsel vm5, $0xFFFFFFFF, v3;
	vm6 =	vlt.f32 v20, v17;
	v19 =	vadd.f32 $-1.000000000e+00, v17  }
0x5a: {  	vm7 =	vlt.f32 v21, v25;
	v20 =	vadd.s32 v26, v22;
	v21 =	vsel vm6, $0xFFFFFFFF, v3  }
0x5b: {  	v22 =	vsel vm7, $0xFFFFFFFF, v3;
	v20 =	vadd.s32 $0x40, v20;
	v21 =	vadd.s32 v21, v23  }
0x5c: {  	v22 =	vadd.s32 v22, v24;
	vm8 =	vgt.s32 v20, $0x0;
	v21 =	vadd.s32 $0x40, v21  }
0x5d: {  	v22 =	vadd.s32 $0x40, v22;
	v20 =	vnsel vm8, $0x0, v20;
	vm8 =	vgt.s32 v21, $0x0  }
0x5e: {  	v23 =	vadd.f32 $-1.000000000e+00, v25;
	vm9 =	vgt.s32 v22, $0x0;
	v21 =	vnsel vm8, $0x0, v21  }
0x5f: {  	v20 =	vmin.u32 v20, $0x7F;
	v22 =	vnsel vm9, $0x0, v22;
	v21 =	vmin.u32 v21, $0x7F  }
0x60: {  	v24 =	vperm.xlane v20, v6;
	v22 =	vmin.u32 v22, $0x7F;
	v26 =	vperm.xlane v21, v7  }
.Ltmp1:
0x61: {  	v23 =	vsel vm7, v23, v25;
	v25 =	vperm.xlane v20, v9;
	v27 =	vperm.xlane v21, v10;
	(pc) =	sbr.rel @p1 .LBB2_5-.Ltmp1, $4  }
0x62: {  	[tilespmem:s1+$0xFFFFFFE0] =	vst v23;
	v23 =	vperm.xlane v22, v5;
	v24 =	vsel vm0, v24, v26;
	v26 =	vperm.xlane v22, v8  }
0x63: {  	v28 =	vperm.xlane v21, v14;
	v25 =	vsel vm2, v25, v27;
	v27 =	vperm.xlane v20, v11  }
0x64: {  	v20 =	vperm.xlane v22, v12;
	v21 =	vsel vm1, v23, v24;
	v23 =	vsel vm3, v26, v25  }
0x65: {  	v21 =	vshll.u32 v21, $0xE;
	v22 =	vshll.u32 v23, $0x7;
	v23 =	vsel vm4, v27, v28  }
0x66: {  	v17 =	vsel vm6, v19, v17  }
0x67: {  	v16 =	vsel vm5, v18, v16;
	v18 =	vsel vm3, v20, v23;
	[tilespmem:s12+$0x0] =	vst v17;
	v17 =	vadd.s32 v21, v22  }
0x68: {  	s1 =	sshra.s32 s30, $0x2;
	[tilespmem:s12+$0xFFFFFFF0] =	vst v16;
	v16 =	vadd.s32 v18, v17  }
0x69: {  	s25 =	sadd.s32 s7, s29;
	[tilespmem:s1+$0x4980] =	vst v16  }
0x6a: {  	[hbm4b:s25+s5] =	stream.linear.scatter [tilespmem:s5], [sflag:$0x2], $0x4980, $0x38;
	[tilespmem:$0x1D688] =	vst v63  }
0x6b: {  	_ =	swait.ge [sflag:s20], $0x4980  }
0x6c: {  	s29 =	sshrl.u32 s0, $0x3;
	[sflag:s20] =	ssyncset.done $0x0  }
0x6d: {  	s0 =	sadd.s32 s3, s29;
	[sflag:s20] =	ssyncadd.s32 $0xFFFFB680  }
0x6e: {  	[hbm4b:s0+s5] =	stream.linear.scatter [tilespmem:s21], [sflag:$0x2], $0x1880, $0x38;
	[tilespmem:$0x1D688] =	vst v63  }
0x6f: {  	_ =	swait.ge [sflag:s20], $0x1880  }
0x70: {  	[sflag:s20] =	ssyncset.done $0x0  }
0x71: {  	[sflag:s20] =	ssyncadd.s32 $0xFFFFE780  }
0x72: {  	[bflag:$0x0] =	sbarrier.arrive $0xFFFF  }
0x73: {  	[spmem:s9] =	stream.linear.scatter [tilespmem:s22], [sflag:$0x2], $0x2000, $0x38;
	[tilespmem:$0x1D688] =	vst v63  }
0x74: {  	_ =	swait.ge [sflag:s20], $0x2000  }
0x75: {  	[sflag:s20] =	ssyncset.done $0x0  }
0x76: {  	[sflag:s20] =	ssyncadd.s32 $0xFFFFE000  }
0x77: {  	[spmem:s13] =	stream.linear.scatter [tilespmem:s22], [sflag:$0x2], $0x2000, $0x38;
	[tilespmem:$0x1D688] =	vst v63  }
0x78: {  	_ =	swait.ge [sflag:s20], $0x2000  }
0x79: {  	[sflag:s20] =	ssyncset.done $0x0  }
0x7a: {  	[sflag:s20] =	ssyncadd.s32 $0xFFFFE000  }
0x7b: {  	[spmem:s14] =	stream.linear.scatter [tilespmem:s22], [sflag:$0x2], $0x2000, $0x38;
	[tilespmem:$0x1D688] =	vst v63  }
0x7c: {  	_ =	swait.ge [sflag:s20], $0x2000  }
0x7d: {  	[sflag:s20] =	ssyncset.done $0x0  }
0x7e: {  	[sflag:s20] =	ssyncadd.s32 $0xFFFFE000  }
0x7f: {  	[spmem:s15] =	stream.linear.scatter [tilespmem:s22], [sflag:$0x2], $0x2000, $0x38;
	[tilespmem:$0x1D688] =	vst v63  }
0x80: {  	_ =	swait.ge [sflag:s20], $0x2000  }
0x81: {  	[sflag:s20] =	ssyncset.done $0x0  }
0x82: {  	[sflag:s20] =	ssyncadd.s32 $0xFFFFE000  }
0x83: {  	[spmem:s16] =	stream.linear.scatter [tilespmem:s22], [sflag:$0x2], $0x2000, $0x38;
	[tilespmem:$0x1D688] =	vst v63  }
0x84: {  	_ =	swait.ge [sflag:s20], $0x2000  }
0x85: {  	[sflag:s20] =	ssyncset.done $0x0  }
0x86: {  	[sflag:s20] =	ssyncadd.s32 $0xFFFFE000  }
0x87: {  	[spmem:s17] =	stream.linear.scatter [tilespmem:s22], [sflag:$0x2], $0x2000, $0x38;
	[tilespmem:$0x1D688] =	vst v63  }
0x88: {  	_ =	swait.ge [sflag:s20], $0x2000  }
0x89: {  	[sflag:s20] =	ssyncset.done $0x0  }
0x8a: {  	[sflag:s20] =	ssyncadd.s32 $0xFFFFE000  }
0x8b: {  	[spmem:s18] =	stream.linear.scatter [tilespmem:s22], [sflag:$0x2], $0x2000, $0x38;
	[tilespmem:$0x1D688] =	vst v63  }
0x8c: {  	_ =	swait.ge [sflag:s20], $0x2000  }
0x8d: {  	[sflag:s20] =	ssyncset.done $0x0  }
0x8e: {  	[sflag:s20] =	ssyncadd.s32 $0xFFFFE000  }
0x8f: {  	[spmem:s19] =	stream.linear.scatter [tilespmem:s22], [sflag:$0x2], $0x2000, $0x38;
	[tilespmem:$0x1D688] =	vst v63  }
0x90: {  	_ =	swait.ge [sflag:s20], $0x2000  }
0x91: {  	[sflag:s20] =	ssyncset.done $0x0  }
0x92: {  	[sflag:s20] =	ssyncadd.s32 $0xFFFFE000  }
0x93: {  	[spmem:s11] =	stream.linear.scatter [tilespmem:s22], [sflag:$0x2], $0x8, $0x38;
	[tilespmem:$0x1D688] =	vst v63  }
0x94: {  	_ =	swait.ge [sflag:s20], $0x8  }
0x95: {  	[sflag:s20] =	ssyncset.done $0x0  }
0x96: {  	s1 =	simm.s32 $0x49C0;
	[sflag:s20] =	ssyncadd.s32 $0xFFFFFFF8  }
0x97: {  	v16 =	vld [tilespmem:s1+$0xFFFFFFC0];
	_ =	sdelay $0x2  }
0x98: {  	s2 =	simm.s32 $0x0  }
0x99: {  	v17 =	vmov s2  }
0x9a: {  	vm6 =	vlt.u32 v17, v2;
	vm5 =	vlt.u32 v16, $0x100000  }
0x9b: {  	vm5 =	vmand vm6, vm5  }
0x9c: {  	s0 =	simm.s32 $0x6240;
	v16 =	vsel vm5, v16, v15  }
0x9d: {  	[tilespmem:s0+$0xFFFFFFC0] =	vst v16  }
0x9e: {  	v16 =	vld [tilespmem:s1+$0xFFFFFFD0];
	_ =	sdelay $0x2  }
0x9f: {  	s2 =	simm.s32 $0x10  }
0xa0: {  	v17 =	vor.u32 s2, v0  }
0xa1: {  	vm6 =	vlt.u32 v17, v1;
	v17 =	vand.u32 $0x1F, v17;
	vm5 =	vlt.u32 v16, $0x100000  }
0xa2: {  	v17 =	vor.u32 $0x100000, v17;
	vm5 =	vmand vm6, vm5  }
0xa3: {  	v16 =	vsel vm5, v16, v17  }
0xa4: {  	[tilespmem:s0+$0xFFFFFFD0] =	vst v16  }
0xa5: {  	v16 =	vld [tilespmem:s1+$0xFFFFFFE0];
	_ =	sdelay $0x2  }
0xa6: {  	s12 =	simm.s32 $0x20  }
0xa7: {  	v17 =	vor.u32 s12, v0  }
0xa8: {  	vm6 =	vlt.u32 v17, v1;
	v17 =	vand.u32 $0x2F, v17;
	vm5 =	vlt.u32 v16, $0x100000  }
0xa9: {  	v17 =	vor.u32 $0x100000, v17;
	vm5 =	vmand vm6, vm5  }
0xaa: {  	v16 =	vsel vm5, v16, v17  }
0xab: {  	[tilespmem:s0+$0xFFFFFFE0] =	vst v16  }
0xac: {  	v16 =	vld [tilespmem:s1+$0xFFFFFFF0];
	_ =	sdelay $0x2  }
0xad: {  	s25 =	simm.s32 $0x30  }
0xae: {  	v17 =	vor.u32 s25, v0  }
0xaf: {  	vm6 =	vlt.u32 v17, v1;
	v17 =	vand.u32 $0x3F, v17;
	vm5 =	vlt.u32 v16, $0x100000  }
0xb0: {  	v17 =	vor.u32 $0x100000, v17;
	vm5 =	vmand vm6, vm5  }
0xb1: {  	v16 =	vsel vm5, v16, v17  }
0xb2: {  	[tilespmem:s0+$0xFFFFFFF0] =	vst v16  }
0xb3: {  	v16 =	vld [tilespmem:s1+$0x0];
	_ =	sdelay $0x2  }
0xb4: {  	s12 =	simm.s32 $0x40  }
0xb5: {  	v17 =	vor.u32 s12, v0  }
0xb6: {  	vm6 =	vlt.u32 v17, v1;
	v17 =	vand.u32 $0x4F, v17;
	vm5 =	vlt.u32 v16, $0x100000  }
0xb7: {  	v17 =	vor.u32 $0x100000, v17;
	vm5 =	vmand vm6, vm5  }
0xb8: {  	v16 =	vsel vm5, v16, v17  }
0xb9: {  	[tilespmem:s0+$0x0] =	vst v16  }
0xba: {  	v16 =	vld [tilespmem:s1+$0x10];
	_ =	sdelay $0x2  }
0xbb: {  	s25 =	simm.s32 $0x50  }
0xbc: {  	v17 =	vor.u32 s25, v0  }
0xbd: {  	vm6 =	vlt.u32 v17, v1;
	v17 =	vand.u32 $0x5F, v17;
	vm5 =	vlt.u32 v16, $0x100000  }
0xbe: {  	v17 =	vor.u32 $0x100000, v17;
	vm5 =	vmand vm6, vm5  }
0xbf: {  	v16 =	vsel vm5, v16, v17  }
0xc0: {  	[tilespmem:s0+$0x10] =	vst v16  }
0xc1: {  	v16 =	vld [tilespmem:s1+$0x20];
	_ =	sdelay $0x2  }
0xc2: {  	s12 =	simm.s32 $0x60  }
0xc3: {  	v17 =	vor.u32 s12, v0  }
0xc4: {  	vm6 =	vlt.u32 v17, v1;
	v17 =	vand.u32 $0x6F, v17;
	vm5 =	vlt.u32 v16, $0x100000  }
0xc5: {  	v17 =	vor.u32 $0x100000, v17;
	vm5 =	vmand vm6, vm5  }
0xc6: {  	v16 =	vsel vm5, v16, v17  }
0xc7: {  	[tilespmem:s0+$0x20] =	vst v16  }
0xc8: {  	v16 =	vld [tilespmem:s1+$0x30];
	_ =	sdelay $0x2  }
0xc9: {  	s25 =	simm.s32 $0x70  }
0xca: {  	v17 =	vor.u32 s25, v0  }
0xcb: {  	vm6 =	vlt.u32 v17, v1;
	v17 =	vand.u32 $0x7F, v17;
	vm5 =	vlt.u32 v16, $0x100000  }
0xcc: {  	v17 =	vor.u32 $0x100000, v17;
	vm5 =	vmand vm6, vm5  }
0xcd: {  	v16 =	vsel vm5, v16, v17  }
0xce: {  	s30 =	simm.s32 $0x4A40;
	[tilespmem:s0+$0x30] =	vst v16  }
0xcf: {  	s31 =	simm.s32 $0xF0;
	s1 =	simm.s32 $0x170;
	v16 =	vld [tilespmem:s30+$0xFFFFFFC0]  }
.LBB2_7:
0xd0: {  	p1 =	sne.s32 s1, $0x1870;
	_ =	sdelay $0x1  }
0xd1: {  	s2 =	sadd.s32 $0xFFFFFF90, s31  }
0xd2: {  	v17 =	vmov s2  }
0xd3: {  	vm6 =	vlt.u32 v17, v2;
	vm5 =	vlt.u32 v16, $0x100000  }
0xd4: {  	vm5 =	vmand vm6, vm5  }
0xd5: {  	s0 =	sadd.s32 $0x80, s0;
	v16 =	vsel vm5, v16, v15  }
0xd6: {  	[tilespmem:s0+$0xFFFFFFC0] =	vst v16  }
0xd7: {  	v16 =	vld [tilespmem:s30+$0xFFFFFFD0];
	_ =	sdelay $0x2  }
0xd8: {  	s2 =	sadd.s32 $0xFFFFFFA0, s31  }
0xd9: {  	v17 =	vor.u32 s2, v0  }
0xda: {  	vm6 =	vlt.u32 v17, v1;
	v17 =	vand.u32 $0x1F, v17;
	vm5 =	vlt.u32 v16, $0x100000  }
0xdb: {  	v17 =	vor.u32 $0x100000, v17;
	vm5 =	vmand vm6, vm5  }
0xdc: {  	v16 =	vsel vm5, v16, v17  }
0xdd: {  	[tilespmem:s0+$0xFFFFFFD0] =	vst v16  }
0xde: {  	v16 =	vld [tilespmem:s30+$0xFFFFFFE0];
	_ =	sdelay $0x2  }
0xdf: {  	s2 =	sadd.s32 $0xFFFFFFB0, s31  }
0xe0: {  	v17 =	vor.u32 s2, v0  }
0xe1: {  	vm6 =	vlt.u32 v17, v1;
	v17 =	vand.u32 $0x2F, v17;
	vm5 =	vlt.u32 v16, $0x100000  }
0xe2: {  	v17 =	vor.u32 $0x100000, v17;
	vm5 =	vmand vm6, vm5  }
0xe3: {  	v16 =	vsel vm5, v16, v17  }
0xe4: {  	[tilespmem:s0+$0xFFFFFFE0] =	vst v16  }
0xe5: {  	v16 =	vld [tilespmem:s30+$0xFFFFFFF0];
	_ =	sdelay $0x2  }
0xe6: {  	s2 =	sadd.s32 $0xFFFFFFC0, s31  }
0xe7: {  	v17 =	vor.u32 s2, v0  }
0xe8: {  	vm6 =	vlt.u32 v17, v1;
	v17 =	vand.u32 $0x3F, v17;
	vm5 =	vlt.u32 v16, $0x100000  }
0xe9: {  	v17 =	vor.u32 $0x100000, v17;
	vm5 =	vmand vm6, vm5  }
0xea: {  	v16 =	vsel vm5, v16, v17  }
0xeb: {  	[tilespmem:s0+$0xFFFFFFF0] =	vst v16  }
0xec: {  	v16 =	vld [tilespmem:s30+$0x0];
	_ =	sdelay $0x2  }
0xed: {  	s2 =	sadd.s32 $0xFFFFFFD0, s31  }
0xee: {  	v17 =	vor.u32 s2, v0  }
0xef: {  	vm6 =	vlt.u32 v17, v1;
	v17 =	vand.u32 $0x4F, v17;
	vm5 =	vlt.u32 v16, $0x100000  }
0xf0: {  	v17 =	vor.u32 $0x100000, v17;
	vm5 =	vmand vm6, vm5  }
0xf1: {  	v16 =	vsel vm5, v16, v17  }
0xf2: {  	[tilespmem:s0+$0x0] =	vst v16  }
0xf3: {  	v16 =	vld [tilespmem:s30+$0x10];
	_ =	sdelay $0x2  }
0xf4: {  	s2 =	sadd.s32 $0xFFFFFFE0, s31  }
0xf5: {  	v17 =	vor.u32 s2, v0  }
0xf6: {  	vm6 =	vlt.u32 v17, v1;
	v17 =	vand.u32 $0x5F, v17;
	vm5 =	vlt.u32 v16, $0x100000  }
0xf7: {  	v17 =	vor.u32 $0x100000, v17;
	vm5 =	vmand vm6, vm5  }
0xf8: {  	v16 =	vsel vm5, v16, v17  }
0xf9: {  	[tilespmem:s0+$0x10] =	vst v16  }
0xfa: {  	v16 =	vld [tilespmem:s30+$0x20];
	_ =	sdelay $0x2  }
0xfb: {  	s2 =	sadd.s32 $0xFFFFFFF0, s31  }
0xfc: {  	v17 =	vor.u32 s2, v0  }
0xfd: {  	vm6 =	vlt.u32 v17, v1;
	v17 =	vand.u32 $0x6F, v17;
	vm5 =	vlt.u32 v16, $0x100000  }
0xfe: {  	v17 =	vor.u32 $0x100000, v17;
	vm5 =	vmand vm6, vm5  }
0xff: {  	v16 =	vsel vm5, v16, v17  }
0x100: {  	[tilespmem:s0+$0x20] =	vst v16  }
0x101: {  	v16 =	vld [tilespmem:s30+$0x30];
	_ =	sdelay $0x3  }
0x102: {  	v17 =	vor.u32 s31, v0;
	s31 =	smov.u32 s1  }
.Ltmp2:
0x103: {  	vm6 =	vlt.u32 v17, v1;
	v17 =	vand.u32 $0x7F, v17;
	vm5 =	vlt.u32 v16, $0x100000;
	(pc) =	sbr.rel @p1 .LBB2_7-.Ltmp2, $4  }
0x104: {  	v17 =	vor.u32 $0x100000, v17;
	vm5 =	vmand vm6, vm5  }
0x105: {  	v16 =	vsel vm5, v16, v17  }
0x106: {  	s30 =	sadd.s32 $0x80, s30;
	[tilespmem:s0+$0x30] =	vst v16  }
0x107: {  	s1 =	sadd.s32 $0x80, s1;
	v16 =	vld [tilespmem:s30+$0xFFFFFFC0]  }
0x108: {  	_ =	sdelay $0x1  }
0x109: {  	s1 =	sadd.s32 $0xFFFFFF90, s31  }
0x10a: {  	v17 =	vmov s1  }
0x10b: {  	vm6 =	vlt.u32 v17, v2;
	vm5 =	vlt.u32 v16, $0x100000  }
0x10c: {  	vm5 =	vmand vm6, vm5  }
0x10d: {  	s0 =	sadd.s32 $0x80, s0;
	v16 =	vsel vm5, v16, v15  }
0x10e: {  	[tilespmem:s0+$0xFFFFFFC0] =	vst v16  }
0x10f: {  	v16 =	vld [tilespmem:s30+$0xFFFFFFD0];
	_ =	sdelay $0x2  }
0x110: {  	s2 =	sadd.s32 $0xFFFFFFA0, s31  }
0x111: {  	v17 =	vor.u32 s2, v0  }
0x112: {  	vm6 =	vlt.u32 v17, v1;
	v17 =	vand.u32 $0x1F, v17;
	vm5 =	vlt.u32 v16, $0x100000  }
0x113: {  	v17 =	vor.u32 $0x100000, v17;
	vm5 =	vmand vm6, vm5  }
0x114: {  	v16 =	vsel vm5, v16, v17  }
0x115: {  	[tilespmem:s0+$0xFFFFFFD0] =	vst v16  }
0x116: {  	v16 =	vld [tilespmem:s30+$0xFFFFFFE0];
	_ =	sdelay $0x2  }
0x117: {  	s12 =	sadd.s32 $0xFFFFFFB0, s31  }
0x118: {  	v17 =	vor.u32 s12, v0  }
0x119: {  	vm6 =	vlt.u32 v17, v1;
	v17 =	vand.u32 $0x2F, v17;
	vm5 =	vlt.u32 v16, $0x100000  }
0x11a: {  	v17 =	vor.u32 $0x100000, v17;
	vm5 =	vmand vm6, vm5  }
0x11b: {  	v16 =	vsel vm5, v16, v17  }
0x11c: {  	[tilespmem:s0+$0xFFFFFFE0] =	vst v16  }
0x11d: {  	v16 =	vld [tilespmem:s30+$0xFFFFFFF0];
	_ =	sdelay $0x2  }
0x11e: {  	s25 =	sadd.s32 $0xFFFFFFC0, s31  }
0x11f: {  	v17 =	vor.u32 s25, v0  }
0x120: {  	vm6 =	vlt.u32 v17, v1;
	v17 =	vand.u32 $0x3F, v17;
	vm5 =	vlt.u32 v16, $0x100000  }
0x121: {  	v17 =	vor.u32 $0x100000, v17;
	vm5 =	vmand vm6, vm5  }
0x122: {  	v16 =	vsel vm5, v16, v17  }
0x123: {  	[tilespmem:s0+$0xFFFFFFF0] =	vst v16  }
0x124: {  	v16 =	vld [tilespmem:s30+$0x0];
	_ =	sdelay $0x2  }
0x125: {  	s2 =	sadd.s32 $0xFFFFFFD0, s31  }
0x126: {  	v17 =	vor.u32 s2, v0  }
0x127: {  	vm6 =	vlt.u32 v17, v1;
	v17 =	vand.u32 $0x4F, v17;
	vm5 =	vlt.u32 v16, $0x100000  }
0x128: {  	v17 =	vor.u32 $0x100000, v17;
	vm5 =	vmand vm6, vm5  }
0x129: {  	v16 =	vsel vm5, v16, v17  }
0x12a: {  	[tilespmem:s0+$0x0] =	vst v16  }
0x12b: {  	v16 =	vld [tilespmem:s30+$0x10];
	_ =	sdelay $0x2  }
0x12c: {  	s12 =	sadd.s32 $0xFFFFFFE0, s31  }
0x12d: {  	v17 =	vor.u32 s12, v0  }
0x12e: {  	vm6 =	vlt.u32 v17, v1;
	v17 =	vand.u32 $0x5F, v17;
	vm5 =	vlt.u32 v16, $0x100000  }
0x12f: {  	v17 =	vor.u32 $0x100000, v17;
	vm5 =	vmand vm6, vm5  }
0x130: {  	v16 =	vsel vm5, v16, v17  }
0x131: {  	[tilespmem:s0+$0x10] =	vst v16  }
0x132: {  	v16 =	vld [tilespmem:s30+$0x20];
	_ =	sdelay $0x2  }
0x133: {  	s25 =	sadd.s32 $0xFFFFFFF0, s31  }
0x134: {  	v17 =	vor.u32 s25, v0  }
0x135: {  	vm6 =	vlt.u32 v17, v1;
	v17 =	vand.u32 $0x6F, v17;
	vm5 =	vlt.u32 v16, $0x100000  }
0x136: {  	v17 =	vor.u32 $0x100000, v17;
	vm5 =	vmand vm6, vm5  }
0x137: {  	v16 =	vsel vm5, v16, v17  }
0x138: {  	[tilespmem:s0+$0x20] =	vst v16  }
0x139: {  	v16 =	vld [tilespmem:s30+$0x30];
	_ =	sdelay $0x3  }
0x13a: {  	v17 =	vor.u32 s31, v0  }
0x13b: {  	vm6 =	vlt.u32 v17, v1;
	v17 =	vand.u32 $0x7F, v17;
	vm5 =	vlt.u32 v16, $0x100000  }
0x13c: {  	v17 =	vor.u32 $0x100000, v17;
	vm5 =	vmand vm6, vm5  }
0x13d: {  	v16 =	vsel vm5, v16, v17  }
0x13e: {  	[tilespmem:s0+$0x30] =	vst v16  }
0x13f: {  	s31 =	simm.s32 $0x6200;
	[bflag:$0x0] =	sbarrier.arrive $0xFFFF  }
0x140: {  	[spmem:s4] =	stream.indirect.scatter.add.s32 [tilespmem:s24], [sflag:$0x2], $0x1, s31, s23, $0xb8;
	[tilespmem:$0x1D688] =	vst v63  }
0x141: {  	s0 =	simm.s32 $0x200;
	_ =	swait.ge [sflag:s20], $0x80  }
.LBB2_9:
0x142: {  	s1 =	sshra.s32 s0, $0x2;
	[sflag:s20] =	ssyncset.done $0x0;
	p1 =	sne.s32 s0, $0x6000  }
.Ltmp3:
0x143: {  	s1 =	sadd.s32 $0x6200, s1;
	[sflag:s20] =	ssyncadd.s32 $0xFFFFFF80;
	(pc) =	sbr.rel @p1 .LBB2_9-.Ltmp3, $3  }
0x144: {  	[spmem:s4] =	stream.indirect.scatter.add.s32 [tilespmem:s24], [sflag:$0x2], $0x1, s1, s23, $0xb8;
	[tilespmem:$0x1D688] =	vst v63  }
0x145: {  	s0 =	sadd.s32 $0x200, s0;
	_ =	sdelay $0x1  }
0x146: {  	_ =	swait.ge [sflag:s20], $0x80  }
0x147: {  	[sflag:s20] =	ssyncset.done $0x0  }
0x148: {  	[sflag:s20] =	ssyncadd.s32 $0xFFFFFF80  }
0x149: {  	s0 =	simm.s32 $0x7E00;
	s1 =	simm.s32 $0x6200;
	[bflag:$0x0] =	sbarrier.arrive $0xFFFF  }
0x14a: {  	[tilespmem:s0], [sflag:$0x2] =	stream.indirect.gather [spmem:s4], $0x1, s1, s23, $0xb8;
	[tilespmem:$0x1D688] =	vst v63  }
0x14b: {  	s0 =	simm.s32 $0x200;
	_ =	swait.ge [sflag:s20], $0x80  }
.LBB2_11:
0x14c: {  	s1 =	sshra.s32 s0, $0x2  }
0x14d: {  	[sflag:s20] =	ssyncset.done $0x0;
	p1 =	sne.s32 s0, $0x6000;
	s2 =	sadd.s32 $0x7E00, s1  }
.Ltmp4:
0x14e: {  	s1 =	sadd.s32 $0x6200, s1;
	[sflag:s20] =	ssyncadd.s32 $0xFFFFFF80;
	(pc) =	sbr.rel @p1 .LBB2_11-.Ltmp4, $3  }
0x14f: {  	[tilespmem:s2], [sflag:$0x2] =	stream.indirect.gather [spmem:s4], $0x1, s1, s23, $0xb8;
	[tilespmem:$0x1D688] =	vst v63  }
0x150: {  	s0 =	sadd.s32 $0x200, s0;
	_ =	sdelay $0x1  }
0x151: {  	_ =	swait.ge [sflag:s20], $0x80  }
0x152: {  	[sflag:s20] =	ssyncset.done $0x0  }
0x153: {  	[sflag:s20] =	ssyncadd.s32 $0xFFFFFF80  }
0x154: {  	[bflag:$0x0] =	sbarrier.arrive $0xFFFF  }
0x155: {  	[spmem:s9] =	stream.linear.scatter [tilespmem:s22], [sflag:$0x2], $0x2000, $0x38;
	[tilespmem:$0x1D688] =	vst v63  }
0x156: {  	_ =	swait.ge [sflag:s20], $0x2000  }
0x157: {  	[sflag:s20] =	ssyncset.done $0x0  }
0x158: {  	[sflag:s20] =	ssyncadd.s32 $0xFFFFE000  }
0x159: {  	[spmem:s13] =	stream.linear.scatter [tilespmem:s22], [sflag:$0x2], $0x2000, $0x38;
	[tilespmem:$0x1D688] =	vst v63  }
0x15a: {  	_ =	swait.ge [sflag:s20], $0x2000  }
0x15b: {  	[sflag:s20] =	ssyncset.done $0x0  }
0x15c: {  	[sflag:s20] =	ssyncadd.s32 $0xFFFFE000  }
0x15d: {  	[spmem:s14] =	stream.linear.scatter [tilespmem:s22], [sflag:$0x2], $0x2000, $0x38;
	[tilespmem:$0x1D688] =	vst v63  }
0x15e: {  	_ =	swait.ge [sflag:s20], $0x2000  }
0x15f: {  	[sflag:s20] =	ssyncset.done $0x0  }
0x160: {  	[sflag:s20] =	ssyncadd.s32 $0xFFFFE000  }
0x161: {  	[spmem:s15] =	stream.linear.scatter [tilespmem:s22], [sflag:$0x2], $0x2000, $0x38;
	[tilespmem:$0x1D688] =	vst v63  }
0x162: {  	_ =	swait.ge [sflag:s20], $0x2000  }
0x163: {  	[sflag:s20] =	ssyncset.done $0x0  }
0x164: {  	[sflag:s20] =	ssyncadd.s32 $0xFFFFE000  }
0x165: {  	[spmem:s16] =	stream.linear.scatter [tilespmem:s22], [sflag:$0x2], $0x2000, $0x38;
	[tilespmem:$0x1D688] =	vst v63  }
0x166: {  	_ =	swait.ge [sflag:s20], $0x2000  }
0x167: {  	[sflag:s20] =	ssyncset.done $0x0  }
0x168: {  	[sflag:s20] =	ssyncadd.s32 $0xFFFFE000  }
0x169: {  	[spmem:s17] =	stream.linear.scatter [tilespmem:s22], [sflag:$0x2], $0x2000, $0x38;
	[tilespmem:$0x1D688] =	vst v63  }
0x16a: {  	_ =	swait.ge [sflag:s20], $0x2000  }
0x16b: {  	[sflag:s20] =	ssyncset.done $0x0  }
0x16c: {  	[sflag:s20] =	ssyncadd.s32 $0xFFFFE000  }
0x16d: {  	[spmem:s18] =	stream.linear.scatter [tilespmem:s22], [sflag:$0x2], $0x2000, $0x38;
	[tilespmem:$0x1D688] =	vst v63  }
0x16e: {  	_ =	swait.ge [sflag:s20], $0x2000  }
0x16f: {  	[sflag:s20] =	ssyncset.done $0x0  }
0x170: {  	[sflag:s20] =	ssyncadd.s32 $0xFFFFE000  }
0x171: {  	[spmem:s19] =	stream.linear.scatter [tilespmem:s22], [sflag:$0x2], $0x2000, $0x38;
	[tilespmem:$0x1D688] =	vst v63  }
0x172: {  	_ =	swait.ge [sflag:s20], $0x2000  }
0x173: {  	[sflag:s20] =	ssyncset.done $0x0  }
0x174: {  	[sflag:s20] =	ssyncadd.s32 $0xFFFFE000  }
0x175: {  	[spmem:s11] =	stream.linear.scatter [tilespmem:s22], [sflag:$0x2], $0x8, $0x38;
	[tilespmem:$0x1D688] =	vst v63  }
0x176: {  	_ =	swait.ge [sflag:s20], $0x8  }
0x177: {  	[sflag:s20] =	ssyncset.done $0x0  }
0x178: {  	s0 =	simm.s32 $0x49C0;
	[sflag:s20] =	ssyncadd.s32 $0xFFFFFFF8  }
0x179: {  	v16 =	vld [tilespmem:s0+$0xFFFFFFC0];
	_ =	sdelay $0x3  }
0x17a: {  	s1 =	simm.s32 $0x0  }
0x17b: {  	v17 =	vmov s1;
	v18 =	vand.u32 $0xFFF00000, v16  }
0x17c: {  	vm6 =	vlt.u32 v17, v2;
	vm5 =	veq.s32 v18, $0x100000  }
0x17d: {  	v16 =	vadd.s32 $0xFFF00000, v16;
	vm5 =	vmand vm6, vm5  }
0x17e: {  	s30 =	simm.s32 $0x6240;
	v16 =	vsel vm5, v16, v15  }
0x17f: {  	[tilespmem:s30+$0xFFFFFFC0] =	vst v16  }
0x180: {  	v16 =	vld [tilespmem:s0+$0xFFFFFFD0];
	_ =	sdelay $0x3  }
0x181: {  	s25 =	simm.s32 $0x10  }
0x182: {  	v17 =	vor.u32 s25, v0;
	v18 =	vand.u32 $0xFFF00000, v16  }
0x183: {  	vm6 =	vlt.u32 v17, v1;
	v17 =	vand.u32 $0x1F, v17;
	vm5 =	veq.s32 v18, $0x100000  }
0x184: {  	v17 =	vor.u32 $0x100000, v17;
	v16 =	vadd.s32 $0xFFF00000, v16;
	vm5 =	vmand vm6, vm5  }
0x185: {  	v16 =	vsel vm5, v16, v17  }
0x186: {  	[tilespmem:s30+$0xFFFFFFD0] =	vst v16  }
0x187: {  	v16 =	vld [tilespmem:s0+$0xFFFFFFE0];
	_ =	sdelay $0x3  }
0x188: {  	s2 =	simm.s32 $0x20  }
0x189: {  	v17 =	vor.u32 s2, v0;
	v18 =	vand.u32 $0xFFF00000, v16  }
0x18a: {  	vm6 =	vlt.u32 v17, v1;
	v17 =	vand.u32 $0x2F, v17;
	vm5 =	veq.s32 v18, $0x100000  }
0x18b: {  	v17 =	vor.u32 $0x100000, v17;
	v16 =	vadd.s32 $0xFFF00000, v16;
	vm5 =	vmand vm6, vm5  }
0x18c: {  	v16 =	vsel vm5, v16, v17  }
0x18d: {  	[tilespmem:s30+$0xFFFFFFE0] =	vst v16  }
0x18e: {  	v16 =	vld [tilespmem:s0+$0xFFFFFFF0];
	_ =	sdelay $0x3  }
0x18f: {  	s12 =	simm.s32 $0x30  }
0x190: {  	v17 =	vor.u32 s12, v0;
	v18 =	vand.u32 $0xFFF00000, v16  }
0x191: {  	vm6 =	vlt.u32 v17, v1;
	v17 =	vand.u32 $0x3F, v17;
	vm5 =	veq.s32 v18, $0x100000  }
0x192: {  	v17 =	vor.u32 $0x100000, v17;
	v16 =	vadd.s32 $0xFFF00000, v16;
	vm5 =	vmand vm6, vm5  }
0x193: {  	v16 =	vsel vm5, v16, v17  }
0x194: {  	[tilespmem:s30+$0xFFFFFFF0] =	vst v16  }
0x195: {  	v16 =	vld [tilespmem:s0+$0x0];
	_ =	sdelay $0x3  }
0x196: {  	s25 =	simm.s32 $0x40  }
0x197: {  	v17 =	vor.u32 s25, v0;
	v18 =	vand.u32 $0xFFF00000, v16  }
0x198: {  	vm6 =	vlt.u32 v17, v1;
	v17 =	vand.u32 $0x4F, v17;
	vm5 =	veq.s32 v18, $0x100000  }
0x199: {  	v17 =	vor.u32 $0x100000, v17;
	v16 =	vadd.s32 $0xFFF00000, v16;
	vm5 =	vmand vm6, vm5  }
0x19a: {  	v16 =	vsel vm5, v16, v17  }
0x19b: {  	[tilespmem:s30+$0x0] =	vst v16  }
0x19c: {  	v16 =	vld [tilespmem:s0+$0x10];
	_ =	sdelay $0x3  }
0x19d: {  	s2 =	simm.s32 $0x50  }
0x19e: {  	v17 =	vor.u32 s2, v0;
	v18 =	vand.u32 $0xFFF00000, v16  }
0x19f: {  	vm6 =	vlt.u32 v17, v1;
	v17 =	vand.u32 $0x5F, v17;
	vm5 =	veq.s32 v18, $0x100000  }
0x1a0: {  	v17 =	vor.u32 $0x100000, v17;
	v16 =	vadd.s32 $0xFFF00000, v16;
	vm5 =	vmand vm6, vm5  }
0x1a1: {  	v16 =	vsel vm5, v16, v17  }
0x1a2: {  	[tilespmem:s30+$0x10] =	vst v16  }
0x1a3: {  	v16 =	vld [tilespmem:s0+$0x20];
	_ =	sdelay $0x3  }
0x1a4: {  	s12 =	simm.s32 $0x60  }
0x1a5: {  	v17 =	vor.u32 s12, v0;
	v18 =	vand.u32 $0xFFF00000, v16  }
0x1a6: {  	vm6 =	vlt.u32 v17, v1;
	v17 =	vand.u32 $0x6F, v17;
	vm5 =	veq.s32 v18, $0x100000  }
0x1a7: {  	v17 =	vor.u32 $0x100000, v17;
	v16 =	vadd.s32 $0xFFF00000, v16;
	vm5 =	vmand vm6, vm5  }
0x1a8: {  	v16 =	vsel vm5, v16, v17  }
0x1a9: {  	[tilespmem:s30+$0x20] =	vst v16  }
0x1aa: {  	v16 =	vld [tilespmem:s0+$0x30];
	_ =	sdelay $0x3  }
0x1ab: {  	s25 =	simm.s32 $0x70  }
0x1ac: {  	v17 =	vor.u32 s25, v0;
	v18 =	vand.u32 $0xFFF00000, v16  }
0x1ad: {  	vm6 =	vlt.u32 v17, v1;
	v17 =	vand.u32 $0x7F, v17;
	vm5 =	veq.s32 v18, $0x100000  }
0x1ae: {  	v17 =	vor.u32 $0x100000, v17;
	v16 =	vadd.s32 $0xFFF00000, v16;
	vm5 =	vmand vm6, vm5  }
0x1af: {  	v16 =	vsel vm5, v16, v17  }
0x1b0: {  	s31 =	simm.s32 $0x4A40;
	[tilespmem:s30+$0x30] =	vst v16  }
0x1b1: {  	s1 =	simm.s32 $0x170;
	s0 =	simm.s32 $0xF0;
	v16 =	vld [tilespmem:s31+$0xFFFFFFC0]  }
.LBB2_13:
0x1b2: {  	p1 =	sne.s32 s1, $0x1870;
	_ =	sdelay $0x2  }
0x1b3: {  	s2 =	sadd.s32 $0xFFFFFF90, s0  }
0x1b4: {  	v17 =	vmov s2;
	v18 =	vand.u32 $0xFFF00000, v16  }
0x1b5: {  	vm6 =	vlt.u32 v17, v2;
	vm5 =	veq.s32 v18, $0x100000  }
0x1b6: {  	v16 =	vadd.s32 $0xFFF00000, v16;
	vm5 =	vmand vm6, vm5  }
0x1b7: {  	s30 =	sadd.s32 $0x80, s30;
	v16 =	vsel vm5, v16, v15  }
0x1b8: {  	[tilespmem:s30+$0xFFFFFFC0] =	vst v16  }
0x1b9: {  	v16 =	vld [tilespmem:s31+$0xFFFFFFD0];
	_ =	sdelay $0x3  }
0x1ba: {  	s2 =	sadd.s32 $0xFFFFFFA0, s0  }
0x1bb: {  	v17 =	vor.u32 s2, v0;
	v18 =	vand.u32 $0xFFF00000, v16  }
0x1bc: {  	vm6 =	vlt.u32 v17, v1;
	v17 =	vand.u32 $0x1F, v17;
	vm5 =	veq.s32 v18, $0x100000  }
0x1bd: {  	v17 =	vor.u32 $0x100000, v17;
	v16 =	vadd.s32 $0xFFF00000, v16;
	vm5 =	vmand vm6, vm5  }
0x1be: {  	v16 =	vsel vm5, v16, v17  }
0x1bf: {  	[tilespmem:s30+$0xFFFFFFD0] =	vst v16  }
0x1c0: {  	v16 =	vld [tilespmem:s31+$0xFFFFFFE0];
	_ =	sdelay $0x3  }
0x1c1: {  	s2 =	sadd.s32 $0xFFFFFFB0, s0  }
0x1c2: {  	v17 =	vor.u32 s2, v0;
	v18 =	vand.u32 $0xFFF00000, v16  }
0x1c3: {  	vm6 =	vlt.u32 v17, v1;
	v17 =	vand.u32 $0x2F, v17;
	vm5 =	veq.s32 v18, $0x100000  }
0x1c4: {  	v17 =	vor.u32 $0x100000, v17;
	v16 =	vadd.s32 $0xFFF00000, v16;
	vm5 =	vmand vm6, vm5  }
0x1c5: {  	v16 =	vsel vm5, v16, v17  }
0x1c6: {  	[tilespmem:s30+$0xFFFFFFE0] =	vst v16  }
0x1c7: {  	v16 =	vld [tilespmem:s31+$0xFFFFFFF0];
	_ =	sdelay $0x3  }
0x1c8: {  	s2 =	sadd.s32 $0xFFFFFFC0, s0  }
0x1c9: {  	v17 =	vor.u32 s2, v0;
	v18 =	vand.u32 $0xFFF00000, v16  }
0x1ca: {  	vm6 =	vlt.u32 v17, v1;
	v17 =	vand.u32 $0x3F, v17;
	vm5 =	veq.s32 v18, $0x100000  }
0x1cb: {  	v17 =	vor.u32 $0x100000, v17;
	v16 =	vadd.s32 $0xFFF00000, v16;
	vm5 =	vmand vm6, vm5  }
0x1cc: {  	v16 =	vsel vm5, v16, v17  }
0x1cd: {  	[tilespmem:s30+$0xFFFFFFF0] =	vst v16  }
0x1ce: {  	v16 =	vld [tilespmem:s31+$0x0];
	_ =	sdelay $0x3  }
0x1cf: {  	s2 =	sadd.s32 $0xFFFFFFD0, s0  }
0x1d0: {  	v17 =	vor.u32 s2, v0;
	v18 =	vand.u32 $0xFFF00000, v16  }
0x1d1: {  	vm6 =	vlt.u32 v17, v1;
	v17 =	vand.u32 $0x4F, v17;
	vm5 =	veq.s32 v18, $0x100000  }
0x1d2: {  	v17 =	vor.u32 $0x100000, v17;
	v16 =	vadd.s32 $0xFFF00000, v16;
	vm5 =	vmand vm6, vm5  }
0x1d3: {  	v16 =	vsel vm5, v16, v17  }
0x1d4: {  	[tilespmem:s30+$0x0] =	vst v16  }
0x1d5: {  	v16 =	vld [tilespmem:s31+$0x10];
	_ =	sdelay $0x3  }
0x1d6: {  	s2 =	sadd.s32 $0xFFFFFFE0, s0  }
0x1d7: {  	v17 =	vor.u32 s2, v0;
	v18 =	vand.u32 $0xFFF00000, v16  }
0x1d8: {  	vm6 =	vlt.u32 v17, v1;
	v17 =	vand.u32 $0x5F, v17;
	vm5 =	veq.s32 v18, $0x100000  }
0x1d9: {  	v17 =	vor.u32 $0x100000, v17;
	v16 =	vadd.s32 $0xFFF00000, v16;
	vm5 =	vmand vm6, vm5  }
0x1da: {  	v16 =	vsel vm5, v16, v17  }
0x1db: {  	[tilespmem:s30+$0x10] =	vst v16  }
0x1dc: {  	v16 =	vld [tilespmem:s31+$0x20];
	_ =	sdelay $0x3  }
0x1dd: {  	s2 =	sadd.s32 $0xFFFFFFF0, s0  }
0x1de: {  	v17 =	vor.u32 s2, v0;
	v18 =	vand.u32 $0xFFF00000, v16  }
0x1df: {  	vm6 =	vlt.u32 v17, v1;
	v17 =	vand.u32 $0x6F, v17;
	vm5 =	veq.s32 v18, $0x100000  }
0x1e0: {  	v17 =	vor.u32 $0x100000, v17;
	v16 =	vadd.s32 $0xFFF00000, v16;
	vm5 =	vmand vm6, vm5  }
0x1e1: {  	v16 =	vsel vm5, v16, v17  }
0x1e2: {  	[tilespmem:s30+$0x20] =	vst v16  }
0x1e3: {  	v16 =	vld [tilespmem:s31+$0x30];
	_ =	sdelay $0x4  }
0x1e4: {  	v17 =	vor.u32 s0, v0;
	s0 =	smov.u32 s1;
	v18 =	vand.u32 $0xFFF00000, v16  }
.Ltmp5:
0x1e5: {  	vm6 =	vlt.u32 v17, v1;
	v17 =	vand.u32 $0x7F, v17;
	vm5 =	veq.s32 v18, $0x100000;
	(pc) =	sbr.rel @p1 .LBB2_13-.Ltmp5, $4  }
0x1e6: {  	v17 =	vor.u32 $0x100000, v17;
	v16 =	vadd.s32 $0xFFF00000, v16;
	vm5 =	vmand vm6, vm5  }
0x1e7: {  	v16 =	vsel vm5, v16, v17  }
0x1e8: {  	s31 =	sadd.s32 $0x80, s31;
	[tilespmem:s30+$0x30] =	vst v16  }
0x1e9: {  	s1 =	sadd.s32 $0x80, s1;
	v16 =	vld [tilespmem:s31+$0xFFFFFFC0]  }
0x1ea: {  	_ =	sdelay $0x2  }
0x1eb: {  	s1 =	sadd.s32 $0xFFFFFF90, s0  }
0x1ec: {  	v17 =	vmov s1;
	v18 =	vand.u32 $0xFFF00000, v16  }
0x1ed: {  	vm6 =	vlt.u32 v17, v2;
	vm5 =	veq.s32 v18, $0x100000  }
0x1ee: {  	v16 =	vadd.s32 $0xFFF00000, v16;
	vm5 =	vmand vm6, vm5  }
0x1ef: {  	s1 =	sadd.s32 $0x80, s30;
	v16 =	vsel vm5, v16, v15  }
0x1f0: {  	[tilespmem:s1+$0xFFFFFFC0] =	vst v16  }
0x1f1: {  	v16 =	vld [tilespmem:s31+$0xFFFFFFD0];
	_ =	sdelay $0x3  }
0x1f2: {  	s2 =	sadd.s32 $0xFFFFFFA0, s0  }
0x1f3: {  	v17 =	vor.u32 s2, v0;
	v57 =	vand.u32 $0xFFF00000, v16  }
0x1f4: {  	vm6 =	vlt.u32 v17, v1;
	v17 =	vand.u32 $0x1F, v17;
	vm5 =	veq.s32 v57, $0x100000  }
0x1f5: {  	v17 =	vor.u32 $0x100000, v17;
	v16 =	vadd.s32 $0xFFF00000, v16;
	vm5 =	vmand vm6, vm5  }
0x1f6: {  	v16 =	vsel vm5, v16, v17  }
0x1f7: {  	[tilespmem:s1+$0xFFFFFFD0] =	vst v16  }
0x1f8: {  	v16 =	vld [tilespmem:s31+$0xFFFFFFE0];
	_ =	sdelay $0x3  }
0x1f9: {  	s25 =	sadd.s32 $0xFFFFFFB0, s0  }
0x1fa: {  	v17 =	vor.u32 s25, v0;
	v58 =	vand.u32 $0xFFF00000, v16  }
0x1fb: {  	vm6 =	vlt.u32 v17, v1;
	v17 =	vand.u32 $0x2F, v17;
	vm5 =	veq.s32 v58, $0x100000  }
0x1fc: {  	v17 =	vor.u32 $0x100000, v17;
	v16 =	vadd.s32 $0xFFF00000, v16;
	vm5 =	vmand vm6, vm5  }
0x1fd: {  	v16 =	vsel vm5, v16, v17  }
0x1fe: {  	[tilespmem:s1+$0xFFFFFFE0] =	vst v16  }
0x1ff: {  	v16 =	vld [tilespmem:s31+$0xFFFFFFF0];
	_ =	sdelay $0x3  }
0x200: {  	s30 =	sadd.s32 $0xFFFFFFC0, s0  }
0x201: {  	v17 =	vor.u32 s30, v0;
	v59 =	vand.u32 $0xFFF00000, v16  }
0x202: {  	vm6 =	vlt.u32 v17, v1;
	v17 =	vand.u32 $0x3F, v17;
	vm5 =	veq.s32 v59, $0x100000  }
0x203: {  	v17 =	vor.u32 $0x100000, v17;
	v16 =	vadd.s32 $0xFFF00000, v16;
	vm5 =	vmand vm6, vm5  }
0x204: {  	v16 =	vsel vm5, v16, v17  }
0x205: {  	[tilespmem:s1+$0xFFFFFFF0] =	vst v16  }
0x206: {  	v16 =	vld [tilespmem:s31+$0x0];
	_ =	sdelay $0x3  }
0x207: {  	s12 =	sadd.s32 $0xFFFFFFD0, s0  }
0x208: {  	v17 =	vor.u32 s12, v0;
	v60 =	vand.u32 $0xFFF00000, v16  }
0x209: {  	vm6 =	vlt.u32 v17, v1;
	v17 =	vand.u32 $0x4F, v17;
	vm5 =	veq.s32 v60, $0x100000  }
0x20a: {  	v17 =	vor.u32 $0x100000, v17;
	v16 =	vadd.s32 $0xFFF00000, v16;
	vm5 =	vmand vm6, vm5  }
0x20b: {  	v16 =	vsel vm5, v16, v17  }
0x20c: {  	[tilespmem:s1+$0x0] =	vst v16  }
0x20d: {  	v16 =	vld [tilespmem:s31+$0x10];
	_ =	sdelay $0x3  }
0x20e: {  	s25 =	sadd.s32 $0xFFFFFFE0, s0  }
0x20f: {  	v17 =	vor.u32 s25, v0;
	v61 =	vand.u32 $0xFFF00000, v16  }
0x210: {  	vm6 =	vlt.u32 v17, v1;
	v17 =	vand.u32 $0x5F, v17;
	vm5 =	veq.s32 v61, $0x100000  }
0x211: {  	v17 =	vor.u32 $0x100000, v17;
	v16 =	vadd.s32 $0xFFF00000, v16;
	vm5 =	vmand vm6, vm5  }
0x212: {  	v16 =	vsel vm5, v16, v17  }
0x213: {  	[tilespmem:s1+$0x10] =	vst v16  }
0x214: {  	v16 =	vld [tilespmem:s31+$0x20];
	_ =	sdelay $0x3  }
0x215: {  	s30 =	sadd.s32 $0xFFFFFFF0, s0  }
0x216: {  	v17 =	vor.u32 s30, v0;
	v62 =	vand.u32 $0xFFF00000, v16  }
0x217: {  	vm6 =	vlt.u32 v17, v1;
	v17 =	vand.u32 $0x6F, v17;
	vm5 =	veq.s32 v62, $0x100000  }
0x218: {  	v17 =	vor.u32 $0x100000, v17;
	v16 =	vadd.s32 $0xFFF00000, v16;
	vm5 =	vmand vm6, vm5  }
0x219: {  	v16 =	vsel vm5, v16, v17  }
0x21a: {  	[tilespmem:s1+$0x20] =	vst v16  }
0x21b: {  	v16 =	vld [tilespmem:s31+$0x30];
	_ =	sdelay $0x4  }
0x21c: {  	v17 =	vor.u32 s0, v0;
	v63 =	vand.u32 $0xFFF00000, v16  }
0x21d: {  	vm6 =	vlt.u32 v17, v1;
	v17 =	vand.u32 $0x7F, v17;
	vm5 =	veq.s32 v63, $0x100000  }
0x21e: {  	v17 =	vor.u32 $0x100000, v17;
	v16 =	vadd.s32 $0xFFF00000, v16;
	vm5 =	vmand vm6, vm5  }
0x21f: {  	v16 =	vsel vm5, v16, v17  }
0x220: {  	[tilespmem:s1+$0x30] =	vst v16  }
0x221: {  	s31 =	simm.s32 $0x6200;
	[bflag:$0x0] =	sbarrier.arrive $0xFFFF  }
0x222: {  	[spmem:s4] =	stream.indirect.scatter.add.s32 [tilespmem:s24], [sflag:$0x2], $0x1, s31, s23, $0xb8;
	[tilespmem:$0x1D688] =	vst v63  }
0x223: {  	s0 =	simm.s32 $0x200;
	_ =	swait.ge [sflag:s20], $0x80  }
.LBB2_15:
0x224: {  	s1 =	sshra.s32 s0, $0x2;
	[sflag:s20] =	ssyncset.done $0x0;
	p1 =	sne.s32 s0, $0x6000  }
.Ltmp6:
0x225: {  	s1 =	sadd.s32 $0x6200, s1;
	[sflag:s20] =	ssyncadd.s32 $0xFFFFFF80;
	(pc) =	sbr.rel @p1 .LBB2_15-.Ltmp6, $3  }
0x226: {  	[spmem:s4] =	stream.indirect.scatter.add.s32 [tilespmem:s24], [sflag:$0x2], $0x1, s1, s23, $0xb8;
	[tilespmem:$0x1D688] =	vst v63  }
0x227: {  	s0 =	sadd.s32 $0x200, s0;
	_ =	sdelay $0x1  }
0x228: {  	_ =	swait.ge [sflag:s20], $0x80  }
0x229: {  	[sflag:s20] =	ssyncset.done $0x0  }
0x22a: {  	[sflag:s20] =	ssyncadd.s32 $0xFFFFFF80  }
0x22b: {  	s0 =	simm.s32 $0x9A00;
	s1 =	simm.s32 $0x6200;
	[bflag:$0x0] =	sbarrier.arrive $0xFFFF  }
0x22c: {  	[tilespmem:s0], [sflag:$0x2] =	stream.indirect.gather [spmem:s4], $0x1, s1, s23, $0xb8;
	[tilespmem:$0x1D688] =	vst v63  }
0x22d: {  	s0 =	simm.s32 $0x0;
	s1 =	simm.s32 $0x200;
	_ =	swait.ge [sflag:s20], $0x80  }
.LBB2_17:
0x22e: {  	s2 =	sshra.s32 s1, $0x2  }
0x22f: {  	[sflag:s20] =	ssyncset.done $0x0;
	p1 =	sne.s32 s1, $0x6000;
	s12 =	sadd.s32 $0x9A00, s2  }
.Ltmp7:
0x230: {  	s2 =	sadd.s32 $0x6200, s2;
	[sflag:s20] =	ssyncadd.s32 $0xFFFFFF80;
	(pc) =	sbr.rel @p1 .LBB2_17-.Ltmp7, $3  }
0x231: {  	[tilespmem:s12], [sflag:$0x2] =	stream.indirect.gather [spmem:s4], $0x1, s2, s23, $0xb8;
	[tilespmem:$0x1D688] =	vst v63  }
0x232: {  	s1 =	sadd.s32 $0x200, s1;
	_ =	sdelay $0x1  }
0x233: {  	_ =	swait.ge [sflag:s20], $0x80  }
0x234: {  	[sflag:s20] =	ssyncset.done $0x0  }
0x235: {  	[sflag:s20] =	ssyncadd.s32 $0xFFFFFF80  }
0x236: {  	v29 =	vld [tilespmem:s0+$0x7E00]  }
0x237: {  	v34 =	vld [tilespmem:s0+$0x9A00]  }
0x238: {  	v20 =	vld [tilespmem:s0+$0x7E10]  }
0x239: {  	v27 =	vld [tilespmem:s0+$0x9A10]  }
0x23a: {  	v23 =	vld [tilespmem:s0+$0x7E20]  }
0x23b: {  	v28 =	vld [tilespmem:s0+$0x9A20]  }
0x23c: {  	v24 =	vld [tilespmem:s0+$0x7E30]  }
0x23d: {  	v26 =	vld [tilespmem:s0+$0x9A30]  }
0x23e: {  	v21 =	vld [tilespmem:s0+$0x7E40]  }
0x23f: {  	v25 =	vld [tilespmem:s0+$0x9A40]  }
0x240: {  	v18 =	vld [tilespmem:s0+$0x7E50]  }
0x241: {  	v22 =	vld [tilespmem:s0+$0x9A50]  }
0x242: {  	v17 =	vld [tilespmem:s0+$0x7E60]  }
0x243: {  	v19 =	vld [tilespmem:s0+$0x9A60]  }
0x244: {  	v16 =	vld [tilespmem:s0+$0x7E70]  }
0x245: {  	v30 =	vld [tilespmem:s0+$0x4980]  }
0x246: {  	v35 =	vld [tilespmem:s0+$0x4990]  }
0x247: {  	v33 =	vld [tilespmem:s0+$0x49A0]  }
0x248: {  	v32 =	vld [tilespmem:s0+$0x49B0]  }
0x249: {  	v31 =	vld [tilespmem:s0+$0x49C0]  }
0x24a: {  	vm5 =	vlt.s32 v30, $0x100000;
	v30 =	vld [tilespmem:s0+$0x49D0]  }
0x24b: {  	s1 =	simm.s32 $0x200;
	v34 =	vsel vm5, v29, v34;
	vm5 =	vlt.s32 v35, $0x100000;
	v29 =	vld [tilespmem:s0+$0x49E0]  }
.LBB2_19:
0x24c: {  	p1 =	sne.s32 s1, $0x6000;
	[tilespmem:s0+$0x4980] =	vst v34;
	v20 =	vsel vm5, v20, v27;
	vm5 =	vlt.s32 v33, $0x100000;
	v33 =	vld [tilespmem:s0+$0x49F0]  }
0x24d: {  	s2 =	sshra.s32 s1, $0x2;
	[tilespmem:s0+$0x4990] =	vst v20;
	v20 =	vsel vm5, v23, v28;
	vm5 =	vlt.s32 v32, $0x100000;
	v28 =	vld [tilespmem:s0+$0x9A70]  }
0x24e: {  	v34 =	vld [tilespmem:s2+$0x7E00];
	[tilespmem:s0+$0x49A0] =	vst v20;
	v20 =	vsel vm5, v24, v26;
	vm5 =	vlt.s32 v31, $0x100000  }
0x24f: {  	v35 =	vld [tilespmem:s2+$0x9A00];
	[tilespmem:s0+$0x49B0] =	vst v20;
	v21 =	vsel vm5, v21, v25;
	vm5 =	vlt.s32 v30, $0x100000  }
0x250: {  	v20 =	vld [tilespmem:s2+$0x7E10];
	[tilespmem:s0+$0x49C0] =	vst v21;
	v18 =	vsel vm5, v18, v22;
	vm5 =	vlt.s32 v29, $0x100000  }
0x251: {  	v27 =	vld [tilespmem:s2+$0x9A10];
	[tilespmem:s0+$0x49D0] =	vst v18;
	v17 =	vsel vm5, v17, v19;
	vm5 =	vlt.s32 v33, $0x100000  }
0x252: {  	v23 =	vld [tilespmem:s2+$0x7E20];
	[tilespmem:s0+$0x49E0] =	vst v17;
	v16 =	vsel vm5, v16, v28  }
0x253: {  	v28 =	vld [tilespmem:s2+$0x9A20];
	[tilespmem:s0+$0x49F0] =	vst v16;
	s0 =	smov.u32 s2  }
0x254: {  	v24 =	vld [tilespmem:s0+$0x7E30]  }
0x255: {  	v26 =	vld [tilespmem:s0+$0x9A30]  }
0x256: {  	v21 =	vld [tilespmem:s0+$0x7E40]  }
0x257: {  	v25 =	vld [tilespmem:s0+$0x9A40]  }
0x258: {  	v18 =	vld [tilespmem:s0+$0x7E50]  }
0x259: {  	v22 =	vld [tilespmem:s0+$0x9A50]  }
0x25a: {  	v17 =	vld [tilespmem:s0+$0x7E60]  }
0x25b: {  	v19 =	vld [tilespmem:s0+$0x9A60]  }
0x25c: {  	v16 =	vld [tilespmem:s0+$0x7E70]  }
0x25d: {  	v29 =	vld [tilespmem:s0+$0x4980]  }
0x25e: {  	v36 =	vld [tilespmem:s0+$0x4990]  }
.Ltmp8:
0x25f: {  	v33 =	vld [tilespmem:s0+$0x49A0];
	(pc) =	sbr.rel @p1 .LBB2_19-.Ltmp8, $4  }
0x260: {  	v32 =	vld [tilespmem:s0+$0x49B0]  }
0x261: {  	v31 =	vld [tilespmem:s0+$0x49C0]  }
0x262: {  	vm5 =	vlt.s32 v29, $0x100000;
	v30 =	vld [tilespmem:s0+$0x49D0]  }
0x263: {  	s1 =	sadd.s32 $0x200, s1;
	v34 =	vsel vm5, v34, v35;
	vm5 =	vlt.s32 v36, $0x100000;
	v29 =	vld [tilespmem:s0+$0x49E0]  }
0x264: {  	[tilespmem:s0+$0x4980] =	vst v34;
	v20 =	vsel vm5, v20, v27;
	v59 =	vld [tilespmem:s0+$0x49F0];
	vm5 =	vlt.s32 v33, $0x100000  }
0x265: {  	v61 =	vld [tilespmem:s0+$0x9A70];
	[tilespmem:s0+$0x4990] =	vst v20;
	v60 =	vsel vm5, v23, v28;
	vm5 =	vlt.s32 v32, $0x100000  }
0x266: {  	[tilespmem:s0+$0x49A0] =	vst v60;
	v62 =	vsel vm5, v24, v26;
	vm5 =	vlt.s32 v31, $0x100000  }
0x267: {  	[tilespmem:s0+$0x49B0] =	vst v62;
	v63 =	vsel vm5, v21, v25;
	vm5 =	vlt.s32 v30, $0x100000  }
0x268: {  	[tilespmem:s0+$0x49C0] =	vst v63;
	v18 =	vsel vm5, v18, v22;
	vm5 =	vlt.s32 v29, $0x100000  }
0x269: {  	[tilespmem:s0+$0x49D0] =	vst v18;
	v17 =	vsel vm5, v17, v19;
	vm5 =	vlt.s32 v59, $0x100000  }
0x26a: {  	[tilespmem:s0+$0x49E0] =	vst v17;
	v16 =	vsel vm5, v16, v61  }
0x26b: {  	s1 =	simm.s32 @p0 $0x0;
	s2 =	simm.s32 @p0 $0x4980;
	[tilespmem:s0+$0x49F0] =	vst v16;
	s0 =	sadd.s32 @p0 s8, s29  }
0x26c: {  	[hbm4b:s0+s1] =	stream.linear.scatter @p0 [tilespmem:s2], [sflag:$0x1], $0x1880, $0x38;
	[tilespmem:$0x1D688] =	vst v63  }
0x26d: {  	s0 =	simm.s32 @p0 $0x1  }
0x26e: {  	s28 =	sadd.s32 $0x1, s28;
	_ =	swait.ge @p0 [sflag:s0], $0x1880  }
0x26f: {  	p1 =	sne.s32 s28, $0x8;
	s1 =	simm.s32 @!p0 $0x0;
	[sflag:s0] =	ssyncset.done @p0 $0x0  }
0x270: {  	s2 =	simm.s32 @!p0 $0x4980;
	[sflag:s0] =	ssyncadd.s32 @p0 $0xFFFFE780;
	s0 =	sadd.s32 @!p0 s8, s29  }
0x271: {  	[hbm4b:s0+s1] =	stream.linear.scatter @!p0 [tilespmem:s2], [sflag:$0x2], $0x1720, $0x38;
	[tilespmem:$0x1D688] =	vst v63  }
.Ltmp9:
0x272: {  	_ = 	snop;
	(pc) =	sbr.rel @p1 .LBB2_4-.Ltmp9, $4  }
0x273: {  	s0 =	simm.s32 @!p0 $0x2  }
0x274: {  	_ =	swait.ge @!p0 [sflag:s0], $0x1720  }
0x275: {  	[sflag:s0] =	ssyncset.done @!p0 $0x0  }
0x276: {  	[sflag:s0] =	ssyncadd.s32 @!p0 $0xFFFFE8E0  }
0x277: {  	s1 =	rddreg [dreg:$0x6]  }
0x278: {  	s0 =	rddreg [dreg:$0x5];
	s1 =	sadd.s32 $0x1, s1  }
0x279: {  	p1 =	sne.s32 s1, s0  }
.Ltmp10:
0x27a: {  	_ = 	snop;
	(pc) =	sbr.rel @p1 .LBB2_1-.Ltmp10, $1  }
0x27b: {  	_ =	sdelay $0x3  }
0x27c: {  	_ =	sfence.sel $0x180000  }
0x27d: {  	[bflag:$0x0] =	sbarrier.arrive $0xFFFF  }
0x27e: {  	_ =	strace $0x90000047  }
0x27f: {  	s0 =	stileid.u32;
	[bflag:$0x2] =	sbarrier.arrive $0xFFFF  }
0x280: {  	p0 =	sne.s32 s0, $0x0;
	s0 =	rddreg [dreg:$0x4]  }
0x281: {  	s0 =	sadd.s32 @!p0 $0x100000, s0  }
0x282: {  	[sflag:s0] =	ssyncadd.tile.s32 @!p0 $0x1;
	_ =	shalt  }
.Lfunc_end2:
_tile_overlayer_lowered:
.L_overlay_start_2:
0x283: {  	(tag) =	ssettag $0x2  }
0x284: {  	s0 =	rddreg [dreg:$0x0];
	s2 =	stileid.u32  }
0x285: {  	s1 =	rddreg [dreg:$0x1];
	p0 =	sne.s32 s2, $0x0  }
0x286: {  	s3 =	rddreg [dreg:$0x2];
	[bflag:$0x3] =	sbarrier.arrive $0xFFFF;
	s2 =	simm.s32 @!p0 $0x1C01  }
0x287: {  	[timem:s3], [sflag:s2] =	dma.local @!p0 [hbm:s0], s1  }
0x288: {  	s0 =	simm.s32 @!p0 $0x1  }
0x289: {  	_ =	swait.ge @!p0 [sflag:s0], s1  }
0x28a: {  	s1 =	ssub.s32 @!p0 $0x0, s1;
	[sflag:s0] =	ssyncset.done @!p0 $0x0  }
0x28b: {  	[sflag:s0] =	ssyncadd.s32 @!p0 s1  }
0x28c: {  	[bflag:$0x3] =	sbarrier.arrive $0xFFFF  }
0x28d: {  	_ =	shalt  }

</sc_bundles>
